<compile_context>
chip_gen: v7x
topology: tpu7x:2x2x1
jax: 0.10.2.dev20260603
libtpu: 0.0.44.dev20260713+nightly
codegen_flags: <defaults>
</compile_context>

<pallas_src>
import functools

import numpy as np
import jax
import jax.numpy as jnp
from jax import lax
from jax.experimental import pallas as pl
from jax.experimental.pallas import tpu as pltpu
from jax.experimental.pallas import tpu_sc as plsc

_ROW_DEPTH = 30
_LANES = 16
_OUT_CHUNKS = 2
_NBUF_OUT = 2


def _packed_perm(n_seq: int, r_depth: int) -> np.ndarray:
    n = int(np.ceil(n_seq / r_depth) * r_depth)
    nb_rows = n // r_depth
    ind = np.arange(n, dtype=np.int32)
    perm = ind.reshape(nb_rows, r_depth).T.reshape(-1)
    perm = perm[perm < n_seq].astype(np.int32)
    p = perm.reshape(-1, 2, _LANES)
    return (p[:, 0, :] | (p[:, 1, :] << 16)).astype(np.int32).reshape(-1)


@functools.cache
def _build(batch: int, n_seq: int):
    info = plsc.get_sparse_core_info()
    n_workers = info.num_cores * info.num_subcores
    assert batch % n_workers == 0
    assert n_seq % (2 * _LANES * _OUT_CHUNKS) == 0
    rows_per_worker = batch // n_workers
    chunk = n_seq // _OUT_CHUNKS
    pairs_per_chunk = chunk // (2 * _LANES)

    mesh = plsc.VectorSubcoreMesh(core_axis_name="c", subcore_axis_name="s")

    @functools.partial(
        pl.kernel,
        mesh=mesh,
        out_type=jax.ShapeDtypeStruct((batch, n_seq), jnp.float32),
        scratch_types=[
            pltpu.VMEM((n_seq // 2,), jnp.int32),
            pltpu.VMEM((n_seq,), jnp.float32),
            pltpu.VMEM((n_seq,), jnp.float32),
            pltpu.VMEM((chunk,), jnp.float32),
            pltpu.VMEM((chunk,), jnp.float32),
            pltpu.SemaphoreType.DMA,
            pltpu.SemaphoreType.DMA,
            pltpu.SemaphoreType.DMA,
            pltpu.SemaphoreType.DMA,
        ],
        compiler_params=pltpu.CompilerParams(needs_layout_passes=False),
    )
    def interleave(in_hbm, pp_hbm, out_hbm, pp_v, in_v0, in_v1,
                   out_v0, out_v1,
                   sem_i0, sem_i1, sem_o0, sem_o1):
        wid = lax.axis_index("s") * info.num_cores + lax.axis_index("c")
        row0 = wid * rows_per_worker
        in_bufs, sem_ins = [in_v0, in_v1], [sem_i0, sem_i1]
        out_bufs = [out_v0, out_v1]
        sem_outs = [sem_o0, sem_o1]

        h_in = [None, None]
        h_out = [None] * _NBUF_OUT
        h_in[0] = pltpu.async_copy(in_hbm.at[row0], in_bufs[0], sem_ins[0])
        pltpu.sync_copy(pp_hbm, pp_v)

        for j in range(rows_per_worker):
            jb = j % 2
            h_in[jb].wait()
            if j + 1 < rows_per_worker:
                nb2 = (j + 1) % 2
                h_in[nb2] = pltpu.async_copy(
                    in_hbm.at[row0 + j + 1], in_bufs[nb2], sem_ins[nb2]
                )
            src = in_bufs[jb]
            for k in range(_OUT_CHUNKS):
                b = (j * _OUT_CHUNKS + k) % _NBUF_OUT
                if h_out[b] is not None:
                    h_out[b].wait()
                dst = out_bufs[b]
                pbase = k * chunk // 2

                @plsc.parallel_loop(0, pairs_per_chunk, unroll=8)
                def gather32(q, _dst=dst, _src=src, _pb=pbase):
                    v = pp_v[pl.ds(_pb + q * _LANES, _LANES)]
                    lo = v & jnp.int32(0xFFFF)
                    hi = lax.shift_right_logical(v, jnp.int32(16))
                    _dst[pl.ds(q * 2 * _LANES, _LANES)] = plsc.load_gather(
                        _src, [lo]
                    )
                    _dst[pl.ds(q * 2 * _LANES + _LANES, _LANES)] = (
                        plsc.load_gather(_src, [hi])
                    )

                h_out[b] = pltpu.async_copy(
                    dst,
                    out_hbm.at[row0 + j, pl.ds(k * chunk, chunk)],
                    sem_outs[b],
                )
        for b in range(_NBUF_OUT):
            h_out[b].wait()

    return interleave


def kernel(inputs):
    batch, n_seq = inputs.shape
    packed = jnp.asarray(_packed_perm(n_seq, _ROW_DEPTH))
    return _build(batch, n_seq)(inputs, packed)

# --- scband reference (transcript-rebuilt; emitter-appended) ---
"""Pipeline reference for scband-row-column-interleaver-61727269978301 (READ-ONLY COPY).

The authoritative reference and input builder live on the scoring server;
editing this copy changes nothing except your own understanding.
"""

import jax, jax.numpy as jnp
import numpy as np

ROW_DEPTH = 30
AXIS = -1

def _gen_perm_rc(n_seq, r_depth):
    # Mirrors RowColumnInterleaver._generate_perm_rc
    n = int(np.ceil(n_seq / r_depth) * r_depth)
    nb_rows = n // r_depth
    ind = np.arange(n, dtype=np.int32)
    ind_rc = ind.reshape(nb_rows, -1)
    ind_cr = ind_rc.T
    perm_seq_filler = ind_cr.reshape(-1)
    mask = perm_seq_filler < n_seq
    perm_seq = perm_seq_filler[mask]
    perm_seq_inv = np.argsort(perm_seq).astype(np.int32)
    return perm_seq, perm_seq_inv


def setup_inputs(seed: int = 0) -> dict:
    key = jax.random.key(seed)
    inputs = jax.random.normal(key, (128, 32768), dtype=jnp.float32)
    return {"inputs": inputs}


def reference(inputs):
    n_seq = inputs.shape[AXIS]
    perm_seq, perm_seq_inv = _gen_perm_rc(n_seq, ROW_DEPTH)
    # inverse=False path: gather with forward permutation along AXIS
    x = jnp.take(inputs, jnp.asarray(perm_seq, dtype=jnp.int32), axis=AXIS)
    return x

if __name__ == "__main__":
    import jax
    _d = setup_inputs()
    print(jax.jit(kernel)(*tuple(_d.values())))

</pallas_src>

<mosaic_0001>
#map = affine_map<(d0, d1) -> (0, 0)>
#map1 = affine_map<(d0, d1) -> (0)>
module attributes {stable_mosaic.version = 14 : i64} {
  func.func @interleave(%arg0: i32, %arg1: i32, %arg2: memref<128x32768xf32, #tpu.memory_space<hbm>>, %arg3: memref<16384xi32, #tpu.memory_space<hbm>>, %arg4: memref<128x32768xf32, #tpu.memory_space<hbm>>, %arg5: memref<16384xi32, #tpu.memory_space<vmem>>, %arg6: memref<32768xf32, #tpu.memory_space<vmem>>, %arg7: memref<32768xf32, #tpu.memory_space<vmem>>, %arg8: memref<16384xf32, #tpu.memory_space<vmem>>, %arg9: memref<16384xf32, #tpu.memory_space<vmem>>, %arg10: memref<!tpu.dma_semaphore, #tpu.memory_space<semaphore_mem>>, %arg11: memref<!tpu.dma_semaphore, #tpu.memory_space<semaphore_mem>>, %arg12: memref<!tpu.dma_semaphore, #tpu.memory_space<semaphore_mem>>, %arg13: memref<!tpu.dma_semaphore, #tpu.memory_space<semaphore_mem>>) attributes {dimension_semantics = [#tpu.dimension_semantics<core_parallel>, #tpu.dimension_semantics<subcore_parallel>], iteration_bounds = array<i64: 2, 16>, scalar_prefetch = 0 : i64, scratch_operands = 9 : i64, tpu.core_type = #tpu.core_type<sc_vector_subcore>, window_params = [{transform_indices = #map}, {transform_indices = #map1}, {transform_indices = #map}]} {
    %mul3A = arith.constant 2 : i32
    %mul3A_0 = arith.muli %arg1, %mul3A : i32
    %add3A = arith.addi %mul3A_0, %arg0 : i32
    %mul3A_1 = arith.constant 4 : i32
    %mul3A_2 = arith.muli %add3A, %mul3A_1 : i32
    %dma_start3A = arith.constant 0 : i32
    %dma_start3A_3 = tpu.memref_slice %arg2[%mul3A_2, %dma_start3A] : memref<128x32768xf32, #tpu.memory_space<hbm>> -> memref<1x32768xf32, #tpu.memory_space<hbm>>
    %dma_start3A_4 = tpu.memref_squeeze %dma_start3A_3 : memref<1x32768xf32, #tpu.memory_space<hbm>> -> memref<32768xf32, #tpu.memory_space<hbm>>
    %dma_start3A_5 = arith.constant 0 : i32
    %dma_start3A_6 = tpu.memref_slice %arg2[%mul3A_2, %dma_start3A_5] : memref<128x32768xf32, #tpu.memory_space<hbm>> -> memref<1x32768xf32, #tpu.memory_space<hbm>>
    %dma_start3A_7 = tpu.memref_squeeze %dma_start3A_6 : memref<1x32768xf32, #tpu.memory_space<hbm>> -> memref<32768xf32, #tpu.memory_space<hbm>>
    tpu.enqueue_dma source(%dma_start3A_7 : memref<32768xf32, #tpu.memory_space<hbm>>) target(%arg6 : memref<32768xf32, #tpu.memory_space<vmem>>) target_semaphore(%arg10 : memref<!tpu.dma_semaphore, #tpu.memory_space<semaphore_mem>>)
    "tpu.region"() ({
      %run_scoped3A = tpu.sem_alloc : memref<!tpu.dma_semaphore, #tpu.memory_space<semaphore_mem>>
      tpu.enqueue_dma source(%arg3 : memref<16384xi32, #tpu.memory_space<hbm>>) target(%arg5 : memref<16384xi32, #tpu.memory_space<vmem>>) target_semaphore(%run_scoped3A : memref<!tpu.dma_semaphore, #tpu.memory_space<semaphore_mem>>)
      tpu.wait_dma2 semaphore(%run_scoped3A : memref<!tpu.dma_semaphore, #tpu.memory_space<semaphore_mem>>) src(%arg3 : memref<16384xi32, #tpu.memory_space<hbm>>) dst(%arg5 : memref<16384xi32, #tpu.memory_space<vmem>>)
      tpu.yield
    }) : () -> ()
    %dma_wait3A = arith.constant 0 : i32
    %dma_wait3A_8 = tpu.memref_slice %arg2[%mul3A_2, %dma_wait3A] : memref<128x32768xf32, #tpu.memory_space<hbm>> -> memref<1x32768xf32, #tpu.memory_space<hbm>>
    %dma_wait3A_9 = tpu.memref_squeeze %dma_wait3A_8 : memref<1x32768xf32, #tpu.memory_space<hbm>> -> memref<32768xf32, #tpu.memory_space<hbm>>
    %dma_wait3A_10 = arith.constant 0 : i32
    %dma_wait3A_11 = tpu.memref_slice %arg2[%mul3A_2, %dma_wait3A_10] : memref<128x32768xf32, #tpu.memory_space<hbm>> -> memref<1x32768xf32, #tpu.memory_space<hbm>>
    %dma_wait3A_12 = tpu.memref_squeeze %dma_wait3A_11 : memref<1x32768xf32, #tpu.memory_space<hbm>> -> memref<32768xf32, #tpu.memory_space<hbm>>
    tpu.wait_dma2 semaphore(%arg10 : memref<!tpu.dma_semaphore, #tpu.memory_space<semaphore_mem>>) src(%dma_wait3A_12 : memref<32768xf32, #tpu.memory_space<hbm>>) dst(%arg6 : memref<32768xf32, #tpu.memory_space<vmem>>)
    %add3A_13 = arith.constant 0 : i32
    %add3A_14 = arith.addi %mul3A_2, %add3A_13 : i32
    %add3A_15 = arith.constant 1 : i32
    %add3A_16 = arith.addi %add3A_14, %add3A_15 : i32
    %dma_start3A_17 = arith.constant 0 : i32
    %dma_start3A_18 = tpu.memref_slice %arg2[%add3A_16, %dma_start3A_17] : memref<128x32768xf32, #tpu.memory_space<hbm>> -> memref<1x32768xf32, #tpu.memory_space<hbm>>
    %dma_start3A_19 = tpu.memref_squeeze %dma_start3A_18 : memref<1x32768xf32, #tpu.memory_space<hbm>> -> memref<32768xf32, #tpu.memory_space<hbm>>
    %dma_start3A_20 = arith.constant 0 : i32
    %dma_start3A_21 = tpu.memref_slice %arg2[%add3A_16, %dma_start3A_20] : memref<128x32768xf32, #tpu.memory_space<hbm>> -> memref<1x32768xf32, #tpu.memory_space<hbm>>
    %dma_start3A_22 = tpu.memref_squeeze %dma_start3A_21 : memref<1x32768xf32, #tpu.memory_space<hbm>> -> memref<32768xf32, #tpu.memory_space<hbm>>
    tpu.enqueue_dma source(%dma_start3A_22 : memref<32768xf32, #tpu.memory_space<hbm>>) target(%arg7 : memref<32768xf32, #tpu.memory_space<vmem>>) target_semaphore(%arg11 : memref<!tpu.dma_semaphore, #tpu.memory_space<semaphore_mem>>)
    %parallel_loop3A = arith.constant 0 : i32
    %parallel_loop3A_23 = arith.constant 512 : i32
    %parallel_loop3A_24 = arith.constant 1 : i32
    scf.for %parallel_loop3A_196 = %parallel_loop3A to %parallel_loop3A_23 step %parallel_loop3A_24  : i32 {
      %parallel_loop3A_197 = arith.constant 16 : i32
      %parallel_loop3A_198 = arith.muli %parallel_loop3A_196, %parallel_loop3A_197 : i32
      %parallel_loop3A_199 = arith.constant 0 : i32
      %parallel_loop3A_200 = arith.addi %parallel_loop3A_199, %parallel_loop3A_198 : i32
      %parallel_loop3A_201 = arith.index_cast %parallel_loop3A_200 : i32 to index
      %parallel_loop3A_202 = tpu.vector_load %arg5[%parallel_loop3A_201] {strides = array<i32>} : memref<16384xi32, #tpu.memory_space<vmem>>, vector<16xi32>,
      %parallel_loop3A_203 = arith.constant 65535 : i32
      %parallel_loop3A_204 = vector.broadcast %parallel_loop3A_203 : i32 to vector<16xi32>
      %parallel_loop3A_205 = arith.andi %parallel_loop3A_202, %parallel_loop3A_204 : vector<16xi32>
      %parallel_loop3A_206 = arith.constant 16 : i32
      %parallel_loop3A_207 = vector.broadcast %parallel_loop3A_206 : i32 to vector<16xi32>
      %parallel_loop3A_208 = arith.shrui %parallel_loop3A_202, %parallel_loop3A_207 : vector<16xi32>
      %parallel_loop3A_209 = tpu.vector_load_idx %arg6[%parallel_loop3A_205] : memref<32768xf32, #tpu.memory_space<vmem>>[vector<16xi32>], vector<16xf32>,
      %parallel_loop3A_210 = arith.constant 2 : i32
      %parallel_loop3A_211 = arith.muli %parallel_loop3A_196, %parallel_loop3A_210 : i32
      %parallel_loop3A_212 = arith.constant 16 : i32
      %parallel_loop3A_213 = arith.muli %parallel_loop3A_211, %parallel_loop3A_212 : i32
      %parallel_loop3A_214 = arith.index_cast %parallel_loop3A_213 : i32 to index
      %parallel_loop3A_215 = tpu.vector_load %arg8[%parallel_loop3A_214] {strides = array<i32>} : memref<16384xf32, #tpu.memory_space<vmem>>, vector<16xf32>,
      tpu.vector_store %arg8[%parallel_loop3A_214], %parallel_loop3A_209 {strides = array<i32>} : memref<16384xf32, #tpu.memory_space<vmem>>, vector<16xf32>,
      %parallel_loop3A_216 = tpu.vector_load_idx %arg6[%parallel_loop3A_208] : memref<32768xf32, #tpu.memory_space<vmem>>[vector<16xi32>], vector<16xf32>,
      %parallel_loop3A_217 = arith.constant 2 : i32
      %parallel_loop3A_218 = arith.muli %parallel_loop3A_196, %parallel_loop3A_217 : i32
      %parallel_loop3A_219 = arith.constant 16 : i32
      %parallel_loop3A_220 = arith.muli %parallel_loop3A_218, %parallel_loop3A_219 : i32
      %parallel_loop3A_221 = arith.constant 16 : i32
      %parallel_loop3A_222 = arith.addi %parallel_loop3A_220, %parallel_loop3A_221 : i32
      %parallel_loop3A_223 = arith.index_cast %parallel_loop3A_222 : i32 to index
      %parallel_loop3A_224 = tpu.vector_load %arg8[%parallel_loop3A_223] {strides = array<i32>} : memref<16384xf32, #tpu.memory_space<vmem>>, vector<16xf32>,
      tpu.vector_store %arg8[%parallel_loop3A_223], %parallel_loop3A_216 {strides = array<i32>} : memref<16384xf32, #tpu.memory_space<vmem>>, vector<16xf32>,
    } {sc.loop_unroll_factor = 8 : i64, sc.parallel_access}
    %add3A_25 = arith.constant 0 : i32
    %add3A_26 = arith.addi %mul3A_2, %add3A_25 : i32
    %dma_start3A_27 = arith.constant 0 : i32
    %dma_start3A_28 = tpu.memref_slice %arg4[%add3A_26, %dma_start3A_27] : memref<128x32768xf32, #tpu.memory_space<hbm>> -> memref<1x16384xf32, #tpu.memory_space<hbm>>
    %dma_start3A_29 = tpu.memref_squeeze %dma_start3A_28 : memref<1x16384xf32, #tpu.memory_space<hbm>> -> memref<16384xf32, #tpu.memory_space<hbm>>
    %dma_start3A_30 = arith.constant 0 : i32
    %dma_start3A_31 = tpu.memref_slice %arg4[%add3A_26, %dma_start3A_30] : memref<128x32768xf32, #tpu.memory_space<hbm>> -> memref<1x16384xf32, #tpu.memory_space<hbm>>
    %dma_start3A_32 = tpu.memref_squeeze %dma_start3A_31 : memref<1x16384xf32, #tpu.memory_space<hbm>> -> memref<16384xf32, #tpu.memory_space<hbm>>
    tpu.enqueue_dma source(%arg8 : memref<16384xf32, #tpu.memory_space<vmem>>) target(%dma_start3A_32 : memref<16384xf32, #tpu.memory_space<hbm>>) target_semaphore(%arg12 : memref<!tpu.dma_semaphore, #tpu.memory_space<semaphore_mem>>)
    %parallel_loop3A_33 = arith.constant 0 : i32
    %parallel_loop3A_34 = arith.constant 512 : i32
    %parallel_loop3A_35 = arith.constant 1 : i32
    scf.for %parallel_loop3A_196 = %parallel_loop3A_33 to %parallel_loop3A_34 step %parallel_loop3A_35  : i32 {
      %parallel_loop3A_197 = arith.constant 16 : i32
      %parallel_loop3A_198 = arith.muli %parallel_loop3A_196, %parallel_loop3A_197 : i32
      %parallel_loop3A_199 = arith.constant 8192 : i32
      %parallel_loop3A_200 = arith.addi %parallel_loop3A_199, %parallel_loop3A_198 : i32
      %parallel_loop3A_201 = arith.index_cast %parallel_loop3A_200 : i32 to index
      %parallel_loop3A_202 = tpu.vector_load %arg5[%parallel_loop3A_201] {strides = array<i32>} : memref<16384xi32, #tpu.memory_space<vmem>>, vector<16xi32>,
      %parallel_loop3A_203 = arith.constant 65535 : i32
      %parallel_loop3A_204 = vector.broadcast %parallel_loop3A_203 : i32 to vector<16xi32>
      %parallel_loop3A_205 = arith.andi %parallel_loop3A_202, %parallel_loop3A_204 : vector<16xi32>
      %parallel_loop3A_206 = arith.constant 16 : i32
      %parallel_loop3A_207 = vector.broadcast %parallel_loop3A_206 : i32 to vector<16xi32>
      %parallel_loop3A_208 = arith.shrui %parallel_loop3A_202, %parallel_loop3A_207 : vector<16xi32>
      %parallel_loop3A_209 = tpu.vector_load_idx %arg6[%parallel_loop3A_205] : memref<32768xf32, #tpu.memory_space<vmem>>[vector<16xi32>], vector<16xf32>,
      %parallel_loop3A_210 = arith.constant 2 : i32
      %parallel_loop3A_211 = arith.muli %parallel_loop3A_196, %parallel_loop3A_210 : i32
      %parallel_loop3A_212 = arith.constant 16 : i32
      %parallel_loop3A_213 = arith.muli %parallel_loop3A_211, %parallel_loop3A_212 : i32
      %parallel_loop3A_214 = arith.index_cast %parallel_loop3A_213 : i32 to index
      %parallel_loop3A_215 = tpu.vector_load %arg9[%parallel_loop3A_214] {strides = array<i32>} : memref<16384xf32, #tpu.memory_space<vmem>>, vector<16xf32>,
      tpu.vector_store %arg9[%parallel_loop3A_214], %parallel_loop3A_209 {strides = array<i32>} : memref<16384xf32, #tpu.memory_space<vmem>>, vector<16xf32>,
      %parallel_loop3A_216 = tpu.vector_load_idx %arg6[%parallel_loop3A_208] : memref<32768xf32, #tpu.memory_space<vmem>>[vector<16xi32>], vector<16xf32>,
      %parallel_loop3A_217 = arith.constant 2 : i32
      %parallel_loop3A_218 = arith.muli %parallel_loop3A_196, %parallel_loop3A_217 : i32
      %parallel_loop3A_219 = arith.constant 16 : i32
      %parallel_loop3A_220 = arith.muli %parallel_loop3A_218, %parallel_loop3A_219 : i32
      %parallel_loop3A_221 = arith.constant 16 : i32
      %parallel_loop3A_222 = arith.addi %parallel_loop3A_220, %parallel_loop3A_221 : i32
      %parallel_loop3A_223 = arith.index_cast %parallel_loop3A_222 : i32 to index
      %parallel_loop3A_224 = tpu.vector_load %arg9[%parallel_loop3A_223] {strides = array<i32>} : memref<16384xf32, #tpu.memory_space<vmem>>, vector<16xf32>,
      tpu.vector_store %arg9[%parallel_loop3A_223], %parallel_loop3A_216 {strides = array<i32>} : memref<16384xf32, #tpu.memory_space<vmem>>, vector<16xf32>,
    } {sc.loop_unroll_factor = 8 : i64, sc.parallel_access}
    %add3A_36 = arith.constant 0 : i32
    %add3A_37 = arith.addi %mul3A_2, %add3A_36 : i32
    %dma_start3A_38 = arith.constant 16384 : i32
    %dma_start3A_39 = tpu.memref_slice %arg4[%add3A_37, %dma_start3A_38] : memref<128x32768xf32, #tpu.memory_space<hbm>> -> memref<1x16384xf32, #tpu.memory_space<hbm>>
    %dma_start3A_40 = tpu.memref_squeeze %dma_start3A_39 : memref<1x16384xf32, #tpu.memory_space<hbm>> -> memref<16384xf32, #tpu.memory_space<hbm>>
    %dma_start3A_41 = arith.constant 16384 : i32
    %dma_start3A_42 = tpu.memref_slice %arg4[%add3A_37, %dma_start3A_41] : memref<128x32768xf32, #tpu.memory_space<hbm>> -> memref<1x16384xf32, #tpu.memory_space<hbm>>
    %dma_start3A_43 = tpu.memref_squeeze %dma_start3A_42 : memref<1x16384xf32, #tpu.memory_space<hbm>> -> memref<16384xf32, #tpu.memory_space<hbm>>
    tpu.enqueue_dma source(%arg9 : memref<16384xf32, #tpu.memory_space<vmem>>) target(%dma_start3A_43 : memref<16384xf32, #tpu.memory_space<hbm>>) target_semaphore(%arg13 : memref<!tpu.dma_semaphore, #tpu.memory_space<semaphore_mem>>)
    %dma_wait3A_44 = arith.constant 0 : i32
    %dma_wait3A_45 = tpu.memref_slice %arg2[%add3A_16, %dma_wait3A_44] : memref<128x32768xf32, #tpu.memory_space<hbm>> -> memref<1x32768xf32, #tpu.memory_space<hbm>>
    %dma_wait3A_46 = tpu.memref_squeeze %dma_wait3A_45 : memref<1x32768xf32, #tpu.memory_space<hbm>> -> memref<32768xf32, #tpu.memory_space<hbm>>
    %dma_wait3A_47 = arith.constant 0 : i32
    %dma_wait3A_48 = tpu.memref_slice %arg2[%add3A_16, %dma_wait3A_47] : memref<128x32768xf32, #tpu.memory_space<hbm>> -> memref<1x32768xf32, #tpu.memory_space<hbm>>
    %dma_wait3A_49 = tpu.memref_squeeze %dma_wait3A_48 : memref<1x32768xf32, #tpu.memory_space<hbm>> -> memref<32768xf32, #tpu.memory_space<hbm>>
    tpu.wait_dma2 semaphore(%arg11 : memref<!tpu.dma_semaphore, #tpu.memory_space<semaphore_mem>>) src(%dma_wait3A_49 : memref<32768xf32, #tpu.memory_space<hbm>>) dst(%arg7 : memref<32768xf32, #tpu.memory_space<vmem>>)
    %add3A_50 = arith.constant 1 : i32
    %add3A_51 = arith.addi %mul3A_2, %add3A_50 : i32
    %add3A_52 = arith.constant 1 : i32
    %add3A_53 = arith.addi %add3A_51, %add3A_52 : i32
    %dma_start3A_54 = arith.constant 0 : i32
    %dma_start3A_55 = tpu.memref_slice %arg2[%add3A_53, %dma_start3A_54] : memref<128x32768xf32, #tpu.memory_space<hbm>> -> memref<1x32768xf32, #tpu.memory_space<hbm>>
    %dma_start3A_56 = tpu.memref_squeeze %dma_start3A_55 : memref<1x32768xf32, #tpu.memory_space<hbm>> -> memref<32768xf32, #tpu.memory_space<hbm>>
    %dma_start3A_57 = arith.constant 0 : i32
    %dma_start3A_58 = tpu.memref_slice %arg2[%add3A_53, %dma_start3A_57] : memref<128x32768xf32, #tpu.memory_space<hbm>> -> memref<1x32768xf32, #tpu.memory_space<hbm>>
    %dma_start3A_59 = tpu.memref_squeeze %dma_start3A_58 : memref<1x32768xf32, #tpu.memory_space<hbm>> -> memref<32768xf32, #tpu.memory_space<hbm>>
    tpu.enqueue_dma source(%dma_start3A_59 : memref<32768xf32, #tpu.memory_space<hbm>>) target(%arg6 : memref<32768xf32, #tpu.memory_space<vmem>>) target_semaphore(%arg10 : memref<!tpu.dma_semaphore, #tpu.memory_space<semaphore_mem>>)
    %dma_wait3A_60 = arith.constant 0 : i32
    %dma_wait3A_61 = tpu.memref_slice %arg4[%add3A_26, %dma_wait3A_60] : memref<128x32768xf32, #tpu.memory_space<hbm>> -> memref<1x16384xf32, #tpu.memory_space<hbm>>
    %dma_wait3A_62 = tpu.memref_squeeze %dma_wait3A_61 : memref<1x16384xf32, #tpu.memory_space<hbm>> -> memref<16384xf32, #tpu.memory_space<hbm>>
    %dma_wait3A_63 = arith.constant 0 : i32
    %dma_wait3A_64 = tpu.memref_slice %arg4[%add3A_26, %dma_wait3A_63] : memref<128x32768xf32, #tpu.memory_space<hbm>> -> memref<1x16384xf32, #tpu.memory_space<hbm>>
    %dma_wait3A_65 = tpu.memref_squeeze %dma_wait3A_64 : memref<1x16384xf32, #tpu.memory_space<hbm>> -> memref<16384xf32, #tpu.memory_space<hbm>>
    tpu.wait_dma2 semaphore(%arg12 : memref<!tpu.dma_semaphore, #tpu.memory_space<semaphore_mem>>) src(%arg8 : memref<16384xf32, #tpu.memory_space<vmem>>) dst(%dma_wait3A_65 : memref<16384xf32, #tpu.memory_space<hbm>>)
    %parallel_loop3A_66 = arith.constant 0 : i32
    %parallel_loop3A_67 = arith.constant 512 : i32
    %parallel_loop3A_68 = arith.constant 1 : i32
    scf.for %parallel_loop3A_196 = %parallel_loop3A_66 to %parallel_loop3A_67 step %parallel_loop3A_68  : i32 {
      %parallel_loop3A_197 = arith.constant 16 : i32
      %parallel_loop3A_198 = arith.muli %parallel_loop3A_196, %parallel_loop3A_197 : i32
      %parallel_loop3A_199 = arith.constant 0 : i32
      %parallel_loop3A_200 = arith.addi %parallel_loop3A_199, %parallel_loop3A_198 : i32
      %parallel_loop3A_201 = arith.index_cast %parallel_loop3A_200 : i32 to index
      %parallel_loop3A_202 = tpu.vector_load %arg5[%parallel_loop3A_201] {strides = array<i32>} : memref<16384xi32, #tpu.memory_space<vmem>>, vector<16xi32>,
      %parallel_loop3A_203 = arith.constant 65535 : i32
      %parallel_loop3A_204 = vector.broadcast %parallel_loop3A_203 : i32 to vector<16xi32>
      %parallel_loop3A_205 = arith.andi %parallel_loop3A_202, %parallel_loop3A_204 : vector<16xi32>
      %parallel_loop3A_206 = arith.constant 16 : i32
      %parallel_loop3A_207 = vector.broadcast %parallel_loop3A_206 : i32 to vector<16xi32>
      %parallel_loop3A_208 = arith.shrui %parallel_loop3A_202, %parallel_loop3A_207 : vector<16xi32>
      %parallel_loop3A_209 = tpu.vector_load_idx %arg7[%parallel_loop3A_205] : memref<32768xf32, #tpu.memory_space<vmem>>[vector<16xi32>], vector<16xf32>,
      %parallel_loop3A_210 = arith.constant 2 : i32
      %parallel_loop3A_211 = arith.muli %parallel_loop3A_196, %parallel_loop3A_210 : i32
      %parallel_loop3A_212 = arith.constant 16 : i32
      %parallel_loop3A_213 = arith.muli %parallel_loop3A_211, %parallel_loop3A_212 : i32
      %parallel_loop3A_214 = arith.index_cast %parallel_loop3A_213 : i32 to index
      %parallel_loop3A_215 = tpu.vector_load %arg8[%parallel_loop3A_214] {strides = array<i32>} : memref<16384xf32, #tpu.memory_space<vmem>>, vector<16xf32>,
      tpu.vector_store %arg8[%parallel_loop3A_214], %parallel_loop3A_209 {strides = array<i32>} : memref<16384xf32, #tpu.memory_space<vmem>>, vector<16xf32>,
      %parallel_loop3A_216 = tpu.vector_load_idx %arg7[%parallel_loop3A_208] : memref<32768xf32, #tpu.memory_space<vmem>>[vector<16xi32>], vector<16xf32>,
      %parallel_loop3A_217 = arith.constant 2 : i32
      %parallel_loop3A_218 = arith.muli %parallel_loop3A_196, %parallel_loop3A_217 : i32
      %parallel_loop3A_219 = arith.constant 16 : i32
      %parallel_loop3A_220 = arith.muli %parallel_loop3A_218, %parallel_loop3A_219 : i32
      %parallel_loop3A_221 = arith.constant 16 : i32
      %parallel_loop3A_222 = arith.addi %parallel_loop3A_220, %parallel_loop3A_221 : i32
      %parallel_loop3A_223 = arith.index_cast %parallel_loop3A_222 : i32 to index
      %parallel_loop3A_224 = tpu.vector_load %arg8[%parallel_loop3A_223] {strides = array<i32>} : memref<16384xf32, #tpu.memory_space<vmem>>, vector<16xf32>,
      tpu.vector_store %arg8[%parallel_loop3A_223], %parallel_loop3A_216 {strides = array<i32>} : memref<16384xf32, #tpu.memory_space<vmem>>, vector<16xf32>,
    } {sc.loop_unroll_factor = 8 : i64, sc.parallel_access}
    %add3A_69 = arith.constant 1 : i32
    %add3A_70 = arith.addi %mul3A_2, %add3A_69 : i32
    %dma_start3A_71 = arith.constant 0 : i32
    %dma_start3A_72 = tpu.memref_slice %arg4[%add3A_70, %dma_start3A_71] : memref<128x32768xf32, #tpu.memory_space<hbm>> -> memref<1x16384xf32, #tpu.memory_space<hbm>>
    %dma_start3A_73 = tpu.memref_squeeze %dma_start3A_72 : memref<1x16384xf32, #tpu.memory_space<hbm>> -> memref<16384xf32, #tpu.memory_space<hbm>>
    %dma_start3A_74 = arith.constant 0 : i32
    %dma_start3A_75 = tpu.memref_slice %arg4[%add3A_70, %dma_start3A_74] : memref<128x32768xf32, #tpu.memory_space<hbm>> -> memref<1x16384xf32, #tpu.memory_space<hbm>>
    %dma_start3A_76 = tpu.memref_squeeze %dma_start3A_75 : memref<1x16384xf32, #tpu.memory_space<hbm>> -> memref<16384xf32, #tpu.memory_space<hbm>>
    tpu.enqueue_dma source(%arg8 : memref<16384xf32, #tpu.memory_space<vmem>>) target(%dma_start3A_76 : memref<16384xf32, #tpu.memory_space<hbm>>) target_semaphore(%arg12 : memref<!tpu.dma_semaphore, #tpu.memory_space<semaphore_mem>>)
    %dma_wait3A_77 = arith.constant 16384 : i32
    %dma_wait3A_78 = tpu.memref_slice %arg4[%add3A_37, %dma_wait3A_77] : memref<128x32768xf32, #tpu.memory_space<hbm>> -> memref<1x16384xf32, #tpu.memory_space<hbm>>
    %dma_wait3A_79 = tpu.memref_squeeze %dma_wait3A_78 : memref<1x16384xf32, #tpu.memory_space<hbm>> -> memref<16384xf32, #tpu.memory_space<hbm>>
    %dma_wait3A_80 = arith.constant 16384 : i32
    %dma_wait3A_81 = tpu.memref_slice %arg4[%add3A_37, %dma_wait3A_80] : memref<128x32768xf32, #tpu.memory_space<hbm>> -> memref<1x16384xf32, #tpu.memory_space<hbm>>
    %dma_wait3A_82 = tpu.memref_squeeze %dma_wait3A_81 : memref<1x16384xf32, #tpu.memory_space<hbm>> -> memref<16384xf32, #tpu.memory_space<hbm>>
    tpu.wait_dma2 semaphore(%arg13 : memref<!tpu.dma_semaphore, #tpu.memory_space<semaphore_mem>>) src(%arg9 : memref<16384xf32, #tpu.memory_space<vmem>>) dst(%dma_wait3A_82 : memref<16384xf32, #tpu.memory_space<hbm>>)
    %parallel_loop3A_83 = arith.constant 0 : i32
    %parallel_loop3A_84 = arith.constant 512 : i32
    %parallel_loop3A_85 = arith.constant 1 : i32
    scf.for %parallel_loop3A_196 = %parallel_loop3A_83 to %parallel_loop3A_84 step %parallel_loop3A_85  : i32 {
      %parallel_loop3A_197 = arith.constant 16 : i32
      %parallel_loop3A_198 = arith.muli %parallel_loop3A_196, %parallel_loop3A_197 : i32
      %parallel_loop3A_199 = arith.constant 8192 : i32
      %parallel_loop3A_200 = arith.addi %parallel_loop3A_199, %parallel_loop3A_198 : i32
      %parallel_loop3A_201 = arith.index_cast %parallel_loop3A_200 : i32 to index
      %parallel_loop3A_202 = tpu.vector_load %arg5[%parallel_loop3A_201] {strides = array<i32>} : memref<16384xi32, #tpu.memory_space<vmem>>, vector<16xi32>,
      %parallel_loop3A_203 = arith.constant 65535 : i32
      %parallel_loop3A_204 = vector.broadcast %parallel_loop3A_203 : i32 to vector<16xi32>
      %parallel_loop3A_205 = arith.andi %parallel_loop3A_202, %parallel_loop3A_204 : vector<16xi32>
      %parallel_loop3A_206 = arith.constant 16 : i32
      %parallel_loop3A_207 = vector.broadcast %parallel_loop3A_206 : i32 to vector<16xi32>
      %parallel_loop3A_208 = arith.shrui %parallel_loop3A_202, %parallel_loop3A_207 : vector<16xi32>
      %parallel_loop3A_209 = tpu.vector_load_idx %arg7[%parallel_loop3A_205] : memref<32768xf32, #tpu.memory_space<vmem>>[vector<16xi32>], vector<16xf32>,
      %parallel_loop3A_210 = arith.constant 2 : i32
      %parallel_loop3A_211 = arith.muli %parallel_loop3A_196, %parallel_loop3A_210 : i32
      %parallel_loop3A_212 = arith.constant 16 : i32
      %parallel_loop3A_213 = arith.muli %parallel_loop3A_211, %parallel_loop3A_212 : i32
      %parallel_loop3A_214 = arith.index_cast %parallel_loop3A_213 : i32 to index
      %parallel_loop3A_215 = tpu.vector_load %arg9[%parallel_loop3A_214] {strides = array<i32>} : memref<16384xf32, #tpu.memory_space<vmem>>, vector<16xf32>,
      tpu.vector_store %arg9[%parallel_loop3A_214], %parallel_loop3A_209 {strides = array<i32>} : memref<16384xf32, #tpu.memory_space<vmem>>, vector<16xf32>,
      %parallel_loop3A_216 = tpu.vector_load_idx %arg7[%parallel_loop3A_208] : memref<32768xf32, #tpu.memory_space<vmem>>[vector<16xi32>], vector<16xf32>,
      %parallel_loop3A_217 = arith.constant 2 : i32
      %parallel_loop3A_218 = arith.muli %parallel_loop3A_196, %parallel_loop3A_217 : i32
      %parallel_loop3A_219 = arith.constant 16 : i32
      %parallel_loop3A_220 = arith.muli %parallel_loop3A_218, %parallel_loop3A_219 : i32
      %parallel_loop3A_221 = arith.constant 16 : i32
      %parallel_loop3A_222 = arith.addi %parallel_loop3A_220, %parallel_loop3A_221 : i32
      %parallel_loop3A_223 = arith.index_cast %parallel_loop3A_222 : i32 to index
      %parallel_loop3A_224 = tpu.vector_load %arg9[%parallel_loop3A_223] {strides = array<i32>} : memref<16384xf32, #tpu.memory_space<vmem>>, vector<16xf32>,
      tpu.vector_store %arg9[%parallel_loop3A_223], %parallel_loop3A_216 {strides = array<i32>} : memref<16384xf32, #tpu.memory_space<vmem>>, vector<16xf32>,
    } {sc.loop_unroll_factor = 8 : i64, sc.parallel_access}
    %add3A_86 = arith.constant 1 : i32
    %add3A_87 = arith.addi %mul3A_2, %add3A_86 : i32
    %dma_start3A_88 = arith.constant 16384 : i32
    %dma_start3A_89 = tpu.memref_slice %arg4[%add3A_87, %dma_start3A_88] : memref<128x32768xf32, #tpu.memory_space<hbm>> -> memref<1x16384xf32, #tpu.memory_space<hbm>>
    %dma_start3A_90 = tpu.memref_squeeze %dma_start3A_89 : memref<1x16384xf32, #tpu.memory_space<hbm>> -> memref<16384xf32, #tpu.memory_space<hbm>>
    %dma_start3A_91 = arith.constant 16384 : i32
    %dma_start3A_92 = tpu.memref_slice %arg4[%add3A_87, %dma_start3A_91] : memref<128x32768xf32, #tpu.memory_space<hbm>> -> memref<1x16384xf32, #tpu.memory_space<hbm>>
    %dma_start3A_93 = tpu.memref_squeeze %dma_start3A_92 : memref<1x16384xf32, #tpu.memory_space<hbm>> -> memref<16384xf32, #tpu.memory_space<hbm>>
    tpu.enqueue_dma source(%arg9 : memref<16384xf32, #tpu.memory_space<vmem>>) target(%dma_start3A_93 : memref<16384xf32, #tpu.memory_space<hbm>>) target_semaphore(%arg13 : memref<!tpu.dma_semaphore, #tpu.memory_space<semaphore_mem>>)
    %dma_wait3A_94 = arith.constant 0 : i32
    %dma_wait3A_95 = tpu.memref_slice %arg2[%add3A_53, %dma_wait3A_94] : memref<128x32768xf32, #tpu.memory_space<hbm>> -> memref<1x32768xf32, #tpu.memory_space<hbm>>
    %dma_wait3A_96 = tpu.memref_squeeze %dma_wait3A_95 : memref<1x32768xf32, #tpu.memory_space<hbm>> -> memref<32768xf32, #tpu.memory_space<hbm>>
    %dma_wait3A_97 = arith.constant 0 : i32
    %dma_wait3A_98 = tpu.memref_slice %arg2[%add3A_53, %dma_wait3A_97] : memref<128x32768xf32, #tpu.memory_space<hbm>> -> memref<1x32768xf32, #tpu.memory_space<hbm>>
    %dma_wait3A_99 = tpu.memref_squeeze %dma_wait3A_98 : memref<1x32768xf32, #tpu.memory_space<hbm>> -> memref<32768xf32, #tpu.memory_space<hbm>>
    tpu.wait_dma2 semaphore(%arg10 : memref<!tpu.dma_semaphore, #tpu.memory_space<semaphore_mem>>) src(%dma_wait3A_99 : memref<32768xf32, #tpu.memory_space<hbm>>) dst(%arg6 : memref<32768xf32, #tpu.memory_space<vmem>>)
    %add3A_100 = arith.constant 2 : i32
    %add3A_101 = arith.addi %mul3A_2, %add3A_100 : i32
    %add3A_102 = arith.constant 1 : i32
    %add3A_103 = arith.addi %add3A_101, %add3A_102 : i32
    %dma_start3A_104 = arith.constant 0 : i32
    %dma_start3A_105 = tpu.memref_slice %arg2[%add3A_103, %dma_start3A_104] : memref<128x32768xf32, #tpu.memory_space<hbm>> -> memref<1x32768xf32, #tpu.memory_space<hbm>>
    %dma_start3A_106 = tpu.memref_squeeze %dma_start3A_105 : memref<1x32768xf32, #tpu.memory_space<hbm>> -> memref<32768xf32, #tpu.memory_space<hbm>>
    %dma_start3A_107 = arith.constant 0 : i32
    %dma_start3A_108 = tpu.memref_slice %arg2[%add3A_103, %dma_start3A_107] : memref<128x32768xf32, #tpu.memory_space<hbm>> -> memref<1x32768xf32, #tpu.memory_space<hbm>>
    %dma_start3A_109 = tpu.memref_squeeze %dma_start3A_108 : memref<1x32768xf32, #tpu.memory_space<hbm>> -> memref<32768xf32, #tpu.memory_space<hbm>>
    tpu.enqueue_dma source(%dma_start3A_109 : memref<32768xf32, #tpu.memory_space<hbm>>) target(%arg7 : memref<32768xf32, #tpu.memory_space<vmem>>) target_semaphore(%arg11 : memref<!tpu.dma_semaphore, #tpu.memory_space<semaphore_mem>>)
    %dma_wait3A_110 = arith.constant 0 : i32
    %dma_wait3A_111 = tpu.memref_slice %arg4[%add3A_70, %dma_wait3A_110] : memref<128x32768xf32, #tpu.memory_space<hbm>> -> memref<1x16384xf32, #tpu.memory_space<hbm>>
    %dma_wait3A_112 = tpu.memref_squeeze %dma_wait3A_111 : memref<1x16384xf32, #tpu.memory_space<hbm>> -> memref<16384xf32, #tpu.memory_space<hbm>>
    %dma_wait3A_113 = arith.constant 0 : i32
    %dma_wait3A_114 = tpu.memref_slice %arg4[%add3A_70, %dma_wait3A_113] : memref<128x32768xf32, #tpu.memory_space<hbm>> -> memref<1x16384xf32, #tpu.memory_space<hbm>>
    %dma_wait3A_115 = tpu.memref_squeeze %dma_wait3A_114 : memref<1x16384xf32, #tpu.memory_space<hbm>> -> memref<16384xf32, #tpu.memory_space<hbm>>
    tpu.wait_dma2 semaphore(%arg12 : memref<!tpu.dma_semaphore, #tpu.memory_space<semaphore_mem>>) src(%arg8 : memref<16384xf32, #tpu.memory_space<vmem>>) dst(%dma_wait3A_115 : memref<16384xf32, #tpu.memory_space<hbm>>)
    %parallel_loop3A_116 = arith.constant 0 : i32
    %parallel_loop3A_117 = arith.constant 512 : i32
    %parallel_loop3A_118 = arith.constant 1 : i32
    scf.for %parallel_loop3A_196 = %parallel_loop3A_116 to %parallel_loop3A_117 step %parallel_loop3A_118  : i32 {
      %parallel_loop3A_197 = arith.constant 16 : i32
      %parallel_loop3A_198 = arith.muli %parallel_loop3A_196, %parallel_loop3A_197 : i32
      %parallel_loop3A_199 = arith.constant 0 : i32
      %parallel_loop3A_200 = arith.addi %parallel_loop3A_199, %parallel_loop3A_198 : i32
      %parallel_loop3A_201 = arith.index_cast %parallel_loop3A_200 : i32 to index
      %parallel_loop3A_202 = tpu.vector_load %arg5[%parallel_loop3A_201] {strides = array<i32>} : memref<16384xi32, #tpu.memory_space<vmem>>, vector<16xi32>,
      %parallel_loop3A_203 = arith.constant 65535 : i32
      %parallel_loop3A_204 = vector.broadcast %parallel_loop3A_203 : i32 to vector<16xi32>
      %parallel_loop3A_205 = arith.andi %parallel_loop3A_202, %parallel_loop3A_204 : vector<16xi32>
      %parallel_loop3A_206 = arith.constant 16 : i32
      %parallel_loop3A_207 = vector.broadcast %parallel_loop3A_206 : i32 to vector<16xi32>
      %parallel_loop3A_208 = arith.shrui %parallel_loop3A_202, %parallel_loop3A_207 : vector<16xi32>
      %parallel_loop3A_209 = tpu.vector_load_idx %arg6[%parallel_loop3A_205] : memref<32768xf32, #tpu.memory_space<vmem>>[vector<16xi32>], vector<16xf32>,
      %parallel_loop3A_210 = arith.constant 2 : i32
      %parallel_loop3A_211 = arith.muli %parallel_loop3A_196, %parallel_loop3A_210 : i32
      %parallel_loop3A_212 = arith.constant 16 : i32
      %parallel_loop3A_213 = arith.muli %parallel_loop3A_211, %parallel_loop3A_212 : i32
      %parallel_loop3A_214 = arith.index_cast %parallel_loop3A_213 : i32 to index
      %parallel_loop3A_215 = tpu.vector_load %arg8[%parallel_loop3A_214] {strides = array<i32>} : memref<16384xf32, #tpu.memory_space<vmem>>, vector<16xf32>,
      tpu.vector_store %arg8[%parallel_loop3A_214], %parallel_loop3A_209 {strides = array<i32>} : memref<16384xf32, #tpu.memory_space<vmem>>, vector<16xf32>,
      %parallel_loop3A_216 = tpu.vector_load_idx %arg6[%parallel_loop3A_208] : memref<32768xf32, #tpu.memory_space<vmem>>[vector<16xi32>], vector<16xf32>,
      %parallel_loop3A_217 = arith.constant 2 : i32
      %parallel_loop3A_218 = arith.muli %parallel_loop3A_196, %parallel_loop3A_217 : i32
      %parallel_loop3A_219 = arith.constant 16 : i32
      %parallel_loop3A_220 = arith.muli %parallel_loop3A_218, %parallel_loop3A_219 : i32
      %parallel_loop3A_221 = arith.constant 16 : i32
      %parallel_loop3A_222 = arith.addi %parallel_loop3A_220, %parallel_loop3A_221 : i32
      %parallel_loop3A_223 = arith.index_cast %parallel_loop3A_222 : i32 to index
      %parallel_loop3A_224 = tpu.vector_load %arg8[%parallel_loop3A_223] {strides = array<i32>} : memref<16384xf32, #tpu.memory_space<vmem>>, vector<16xf32>,
      tpu.vector_store %arg8[%parallel_loop3A_223], %parallel_loop3A_216 {strides = array<i32>} : memref<16384xf32, #tpu.memory_space<vmem>>, vector<16xf32>,
    } {sc.loop_unroll_factor = 8 : i64, sc.parallel_access}
    %add3A_119 = arith.constant 2 : i32
    %add3A_120 = arith.addi %mul3A_2, %add3A_119 : i32
    %dma_start3A_121 = arith.constant 0 : i32
    %dma_start3A_122 = tpu.memref_slice %arg4[%add3A_120, %dma_start3A_121] : memref<128x32768xf32, #tpu.memory_space<hbm>> -> memref<1x16384xf32, #tpu.memory_space<hbm>>
    %dma_start3A_123 = tpu.memref_squeeze %dma_start3A_122 : memref<1x16384xf32, #tpu.memory_space<hbm>> -> memref<16384xf32, #tpu.memory_space<hbm>>
    %dma_start3A_124 = arith.constant 0 : i32
    %dma_start3A_125 = tpu.memref_slice %arg4[%add3A_120, %dma_start3A_124] : memref<128x32768xf32, #tpu.memory_space<hbm>> -> memref<1x16384xf32, #tpu.memory_space<hbm>>
    %dma_start3A_126 = tpu.memref_squeeze %dma_start3A_125 : memref<1x16384xf32, #tpu.memory_space<hbm>> -> memref<16384xf32, #tpu.memory_space<hbm>>
    tpu.enqueue_dma source(%arg8 : memref<16384xf32, #tpu.memory_space<vmem>>) target(%dma_start3A_126 : memref<16384xf32, #tpu.memory_space<hbm>>) target_semaphore(%arg12 : memref<!tpu.dma_semaphore, #tpu.memory_space<semaphore_mem>>)
    %dma_wait3A_127 = arith.constant 16384 : i32
    %dma_wait3A_128 = tpu.memref_slice %arg4[%add3A_87, %dma_wait3A_127] : memref<128x32768xf32, #tpu.memory_space<hbm>> -> memref<1x16384xf32, #tpu.memory_space<hbm>>
    %dma_wait3A_129 = tpu.memref_squeeze %dma_wait3A_128 : memref<1x16384xf32, #tpu.memory_space<hbm>> -> memref<16384xf32, #tpu.memory_space<hbm>>
    %dma_wait3A_130 = arith.constant 16384 : i32
    %dma_wait3A_131 = tpu.memref_slice %arg4[%add3A_87, %dma_wait3A_130] : memref<128x32768xf32, #tpu.memory_space<hbm>> -> memref<1x16384xf32, #tpu.memory_space<hbm>>
    %dma_wait3A_132 = tpu.memref_squeeze %dma_wait3A_131 : memref<1x16384xf32, #tpu.memory_space<hbm>> -> memref<16384xf32, #tpu.memory_space<hbm>>
    tpu.wait_dma2 semaphore(%arg13 : memref<!tpu.dma_semaphore, #tpu.memory_space<semaphore_mem>>) src(%arg9 : memref<16384xf32, #tpu.memory_space<vmem>>) dst(%dma_wait3A_132 : memref<16384xf32, #tpu.memory_space<hbm>>)
    %parallel_loop3A_133 = arith.constant 0 : i32
    %parallel_loop3A_134 = arith.constant 512 : i32
    %parallel_loop3A_135 = arith.constant 1 : i32
    scf.for %parallel_loop3A_196 = %parallel_loop3A_133 to %parallel_loop3A_134 step %parallel_loop3A_135  : i32 {
      %parallel_loop3A_197 = arith.constant 16 : i32
      %parallel_loop3A_198 = arith.muli %parallel_loop3A_196, %parallel_loop3A_197 : i32
      %parallel_loop3A_199 = arith.constant 8192 : i32
      %parallel_loop3A_200 = arith.addi %parallel_loop3A_199, %parallel_loop3A_198 : i32
      %parallel_loop3A_201 = arith.index_cast %parallel_loop3A_200 : i32 to index
      %parallel_loop3A_202 = tpu.vector_load %arg5[%parallel_loop3A_201] {strides = array<i32>} : memref<16384xi32, #tpu.memory_space<vmem>>, vector<16xi32>,
      %parallel_loop3A_203 = arith.constant 65535 : i32
      %parallel_loop3A_204 = vector.broadcast %parallel_loop3A_203 : i32 to vector<16xi32>
      %parallel_loop3A_205 = arith.andi %parallel_loop3A_202, %parallel_loop3A_204 : vector<16xi32>
      %parallel_loop3A_206 = arith.constant 16 : i32
      %parallel_loop3A_207 = vector.broadcast %parallel_loop3A_206 : i32 to vector<16xi32>
      %parallel_loop3A_208 = arith.shrui %parallel_loop3A_202, %parallel_loop3A_207 : vector<16xi32>
      %parallel_loop3A_209 = tpu.vector_load_idx %arg6[%parallel_loop3A_205] : memref<32768xf32, #tpu.memory_space<vmem>>[vector<16xi32>], vector<16xf32>,
      %parallel_loop3A_210 = arith.constant 2 : i32
      %parallel_loop3A_211 = arith.muli %parallel_loop3A_196, %parallel_loop3A_210 : i32
      %parallel_loop3A_212 = arith.constant 16 : i32
      %parallel_loop3A_213 = arith.muli %parallel_loop3A_211, %parallel_loop3A_212 : i32
      %parallel_loop3A_214 = arith.index_cast %parallel_loop3A_213 : i32 to index
      %parallel_loop3A_215 = tpu.vector_load %arg9[%parallel_loop3A_214] {strides = array<i32>} : memref<16384xf32, #tpu.memory_space<vmem>>, vector<16xf32>,
      tpu.vector_store %arg9[%parallel_loop3A_214], %parallel_loop3A_209 {strides = array<i32>} : memref<16384xf32, #tpu.memory_space<vmem>>, vector<16xf32>,
      %parallel_loop3A_216 = tpu.vector_load_idx %arg6[%parallel_loop3A_208] : memref<32768xf32, #tpu.memory_space<vmem>>[vector<16xi32>], vector<16xf32>,
      %parallel_loop3A_217 = arith.constant 2 : i32
      %parallel_loop3A_218 = arith.muli %parallel_loop3A_196, %parallel_loop3A_217 : i32
      %parallel_loop3A_219 = arith.constant 16 : i32
      %parallel_loop3A_220 = arith.muli %parallel_loop3A_218, %parallel_loop3A_219 : i32
      %parallel_loop3A_221 = arith.constant 16 : i32
      %parallel_loop3A_222 = arith.addi %parallel_loop3A_220, %parallel_loop3A_221 : i32
      %parallel_loop3A_223 = arith.index_cast %parallel_loop3A_222 : i32 to index
      %parallel_loop3A_224 = tpu.vector_load %arg9[%parallel_loop3A_223] {strides = array<i32>} : memref<16384xf32, #tpu.memory_space<vmem>>, vector<16xf32>,
      tpu.vector_store %arg9[%parallel_loop3A_223], %parallel_loop3A_216 {strides = array<i32>} : memref<16384xf32, #tpu.memory_space<vmem>>, vector<16xf32>,
    } {sc.loop_unroll_factor = 8 : i64, sc.parallel_access}
    %add3A_136 = arith.constant 2 : i32
    %add3A_137 = arith.addi %mul3A_2, %add3A_136 : i32
    %dma_start3A_138 = arith.constant 16384 : i32
    %dma_start3A_139 = tpu.memref_slice %arg4[%add3A_137, %dma_start3A_138] : memref<128x32768xf32, #tpu.memory_space<hbm>> -> memref<1x16384xf32, #tpu.memory_space<hbm>>
    %dma_start3A_140 = tpu.memref_squeeze %dma_start3A_139 : memref<1x16384xf32, #tpu.memory_space<hbm>> -> memref<16384xf32, #tpu.memory_space<hbm>>
    %dma_start3A_141 = arith.constant 16384 : i32
    %dma_start3A_142 = tpu.memref_slice %arg4[%add3A_137, %dma_start3A_141] : memref<128x32768xf32, #tpu.memory_space<hbm>> -> memref<1x16384xf32, #tpu.memory_space<hbm>>
    %dma_start3A_143 = tpu.memref_squeeze %dma_start3A_142 : memref<1x16384xf32, #tpu.memory_space<hbm>> -> memref<16384xf32, #tpu.memory_space<hbm>>
    tpu.enqueue_dma source(%arg9 : memref<16384xf32, #tpu.memory_space<vmem>>) target(%dma_start3A_143 : memref<16384xf32, #tpu.memory_space<hbm>>) target_semaphore(%arg13 : memref<!tpu.dma_semaphore, #tpu.memory_space<semaphore_mem>>)
    %dma_wait3A_144 = arith.constant 0 : i32
    %dma_wait3A_145 = tpu.memref_slice %arg2[%add3A_103, %dma_wait3A_144] : memref<128x32768xf32, #tpu.memory_space<hbm>> -> memref<1x32768xf32, #tpu.memory_space<hbm>>
    %dma_wait3A_146 = tpu.memref_squeeze %dma_wait3A_145 : memref<1x32768xf32, #tpu.memory_space<hbm>> -> memref<32768xf32, #tpu.memory_space<hbm>>
    %dma_wait3A_147 = arith.constant 0 : i32
    %dma_wait3A_148 = tpu.memref_slice %arg2[%add3A_103, %dma_wait3A_147] : memref<128x32768xf32, #tpu.memory_space<hbm>> -> memref<1x32768xf32, #tpu.memory_space<hbm>>
    %dma_wait3A_149 = tpu.memref_squeeze %dma_wait3A_148 : memref<1x32768xf32, #tpu.memory_space<hbm>> -> memref<32768xf32, #tpu.memory_space<hbm>>
    tpu.wait_dma2 semaphore(%arg11 : memref<!tpu.dma_semaphore, #tpu.memory_space<semaphore_mem>>) src(%dma_wait3A_149 : memref<32768xf32, #tpu.memory_space<hbm>>) dst(%arg7 : memref<32768xf32, #tpu.memory_space<vmem>>)
    %dma_wait3A_150 = arith.constant 0 : i32
    %dma_wait3A_151 = tpu.memref_slice %arg4[%add3A_120, %dma_wait3A_150] : memref<128x32768xf32, #tpu.memory_space<hbm>> -> memref<1x16384xf32, #tpu.memory_space<hbm>>
    %dma_wait3A_152 = tpu.memref_squeeze %dma_wait3A_151 : memref<1x16384xf32, #tpu.memory_space<hbm>> -> memref<16384xf32, #tpu.memory_space<hbm>>
    %dma_wait3A_153 = arith.constant 0 : i32
    %dma_wait3A_154 = tpu.memref_slice %arg4[%add3A_120, %dma_wait3A_153] : memref<128x32768xf32, #tpu.memory_space<hbm>> -> memref<1x16384xf32, #tpu.memory_space<hbm>>
    %dma_wait3A_155 = tpu.memref_squeeze %dma_wait3A_154 : memref<1x16384xf32, #tpu.memory_space<hbm>> -> memref<16384xf32, #tpu.memory_space<hbm>>
    tpu.wait_dma2 semaphore(%arg12 : memref<!tpu.dma_semaphore, #tpu.memory_space<semaphore_mem>>) src(%arg8 : memref<16384xf32, #tpu.memory_space<vmem>>) dst(%dma_wait3A_155 : memref<16384xf32, #tpu.memory_space<hbm>>)
    %parallel_loop3A_156 = arith.constant 0 : i32
    %parallel_loop3A_157 = arith.constant 512 : i32
    %parallel_loop3A_158 = arith.constant 1 : i32
    scf.for %parallel_loop3A_196 = %parallel_loop3A_156 to %parallel_loop3A_157 step %parallel_loop3A_158  : i32 {
      %parallel_loop3A_197 = arith.constant 16 : i32
      %parallel_loop3A_198 = arith.muli %parallel_loop3A_196, %parallel_loop3A_197 : i32
      %parallel_loop3A_199 = arith.constant 0 : i32
      %parallel_loop3A_200 = arith.addi %parallel_loop3A_199, %parallel_loop3A_198 : i32
      %parallel_loop3A_201 = arith.index_cast %parallel_loop3A_200 : i32 to index
      %parallel_loop3A_202 = tpu.vector_load %arg5[%parallel_loop3A_201] {strides = array<i32>} : memref<16384xi32, #tpu.memory_space<vmem>>, vector<16xi32>,
      %parallel_loop3A_203 = arith.constant 65535 : i32
      %parallel_loop3A_204 = vector.broadcast %parallel_loop3A_203 : i32 to vector<16xi32>
      %parallel_loop3A_205 = arith.andi %parallel_loop3A_202, %parallel_loop3A_204 : vector<16xi32>
      %parallel_loop3A_206 = arith.constant 16 : i32
      %parallel_loop3A_207 = vector.broadcast %parallel_loop3A_206 : i32 to vector<16xi32>
      %parallel_loop3A_208 = arith.shrui %parallel_loop3A_202, %parallel_loop3A_207 : vector<16xi32>
      %parallel_loop3A_209 = tpu.vector_load_idx %arg7[%parallel_loop3A_205] : memref<32768xf32, #tpu.memory_space<vmem>>[vector<16xi32>], vector<16xf32>,
      %parallel_loop3A_210 = arith.constant 2 : i32
      %parallel_loop3A_211 = arith.muli %parallel_loop3A_196, %parallel_loop3A_210 : i32
      %parallel_loop3A_212 = arith.constant 16 : i32
      %parallel_loop3A_213 = arith.muli %parallel_loop3A_211, %parallel_loop3A_212 : i32
      %parallel_loop3A_214 = arith.index_cast %parallel_loop3A_213 : i32 to index
      %parallel_loop3A_215 = tpu.vector_load %arg8[%parallel_loop3A_214] {strides = array<i32>} : memref<16384xf32, #tpu.memory_space<vmem>>, vector<16xf32>,
      tpu.vector_store %arg8[%parallel_loop3A_214], %parallel_loop3A_209 {strides = array<i32>} : memref<16384xf32, #tpu.memory_space<vmem>>, vector<16xf32>,
      %parallel_loop3A_216 = tpu.vector_load_idx %arg7[%parallel_loop3A_208] : memref<32768xf32, #tpu.memory_space<vmem>>[vector<16xi32>], vector<16xf32>,
      %parallel_loop3A_217 = arith.constant 2 : i32
      %parallel_loop3A_218 = arith.muli %parallel_loop3A_196, %parallel_loop3A_217 : i32
      %parallel_loop3A_219 = arith.constant 16 : i32
      %parallel_loop3A_220 = arith.muli %parallel_loop3A_218, %parallel_loop3A_219 : i32
      %parallel_loop3A_221 = arith.constant 16 : i32
      %parallel_loop3A_222 = arith.addi %parallel_loop3A_220, %parallel_loop3A_221 : i32
      %parallel_loop3A_223 = arith.index_cast %parallel_loop3A_222 : i32 to index
      %parallel_loop3A_224 = tpu.vector_load %arg8[%parallel_loop3A_223] {strides = array<i32>} : memref<16384xf32, #tpu.memory_space<vmem>>, vector<16xf32>,
      tpu.vector_store %arg8[%parallel_loop3A_223], %parallel_loop3A_216 {strides = array<i32>} : memref<16384xf32, #tpu.memory_space<vmem>>, vector<16xf32>,
    } {sc.loop_unroll_factor = 8 : i64, sc.parallel_access}
    %add3A_159 = arith.constant 3 : i32
    %add3A_160 = arith.addi %mul3A_2, %add3A_159 : i32
    %dma_start3A_161 = arith.constant 0 : i32
    %dma_start3A_162 = tpu.memref_slice %arg4[%add3A_160, %dma_start3A_161] : memref<128x32768xf32, #tpu.memory_space<hbm>> -> memref<1x16384xf32, #tpu.memory_space<hbm>>
    %dma_start3A_163 = tpu.memref_squeeze %dma_start3A_162 : memref<1x16384xf32, #tpu.memory_space<hbm>> -> memref<16384xf32, #tpu.memory_space<hbm>>
    %dma_start3A_164 = arith.constant 0 : i32
    %dma_start3A_165 = tpu.memref_slice %arg4[%add3A_160, %dma_start3A_164] : memref<128x32768xf32, #tpu.memory_space<hbm>> -> memref<1x16384xf32, #tpu.memory_space<hbm>>
    %dma_start3A_166 = tpu.memref_squeeze %dma_start3A_165 : memref<1x16384xf32, #tpu.memory_space<hbm>> -> memref<16384xf32, #tpu.memory_space<hbm>>
    tpu.enqueue_dma source(%arg8 : memref<16384xf32, #tpu.memory_space<vmem>>) target(%dma_start3A_166 : memref<16384xf32, #tpu.memory_space<hbm>>) target_semaphore(%arg12 : memref<!tpu.dma_semaphore, #tpu.memory_space<semaphore_mem>>)
    %dma_wait3A_167 = arith.constant 16384 : i32
    %dma_wait3A_168 = tpu.memref_slice %arg4[%add3A_137, %dma_wait3A_167] : memref<128x32768xf32, #tpu.memory_space<hbm>> -> memref<1x16384xf32, #tpu.memory_space<hbm>>
    %dma_wait3A_169 = tpu.memref_squeeze %dma_wait3A_168 : memref<1x16384xf32, #tpu.memory_space<hbm>> -> memref<16384xf32, #tpu.memory_space<hbm>>
    %dma_wait3A_170 = arith.constant 16384 : i32
    %dma_wait3A_171 = tpu.memref_slice %arg4[%add3A_137, %dma_wait3A_170] : memref<128x32768xf32, #tpu.memory_space<hbm>> -> memref<1x16384xf32, #tpu.memory_space<hbm>>
    %dma_wait3A_172 = tpu.memref_squeeze %dma_wait3A_171 : memref<1x16384xf32, #tpu.memory_space<hbm>> -> memref<16384xf32, #tpu.memory_space<hbm>>
    tpu.wait_dma2 semaphore(%arg13 : memref<!tpu.dma_semaphore, #tpu.memory_space<semaphore_mem>>) src(%arg9 : memref<16384xf32, #tpu.memory_space<vmem>>) dst(%dma_wait3A_172 : memref<16384xf32, #tpu.memory_space<hbm>>)
    %parallel_loop3A_173 = arith.constant 0 : i32
    %parallel_loop3A_174 = arith.constant 512 : i32
    %parallel_loop3A_175 = arith.constant 1 : i32
    scf.for %parallel_loop3A_196 = %parallel_loop3A_173 to %parallel_loop3A_174 step %parallel_loop3A_175  : i32 {
      %parallel_loop3A_197 = arith.constant 16 : i32
      %parallel_loop3A_198 = arith.muli %parallel_loop3A_196, %parallel_loop3A_197 : i32
      %parallel_loop3A_199 = arith.constant 8192 : i32
      %parallel_loop3A_200 = arith.addi %parallel_loop3A_199, %parallel_loop3A_198 : i32
      %parallel_loop3A_201 = arith.index_cast %parallel_loop3A_200 : i32 to index
      %parallel_loop3A_202 = tpu.vector_load %arg5[%parallel_loop3A_201] {strides = array<i32>} : memref<16384xi32, #tpu.memory_space<vmem>>, vector<16xi32>,
      %parallel_loop3A_203 = arith.constant 65535 : i32
      %parallel_loop3A_204 = vector.broadcast %parallel_loop3A_203 : i32 to vector<16xi32>
      %parallel_loop3A_205 = arith.andi %parallel_loop3A_202, %parallel_loop3A_204 : vector<16xi32>
      %parallel_loop3A_206 = arith.constant 16 : i32
      %parallel_loop3A_207 = vector.broadcast %parallel_loop3A_206 : i32 to vector<16xi32>
      %parallel_loop3A_208 = arith.shrui %parallel_loop3A_202, %parallel_loop3A_207 : vector<16xi32>
      %parallel_loop3A_209 = tpu.vector_load_idx %arg7[%parallel_loop3A_205] : memref<32768xf32, #tpu.memory_space<vmem>>[vector<16xi32>], vector<16xf32>,
      %parallel_loop3A_210 = arith.constant 2 : i32
      %parallel_loop3A_211 = arith.muli %parallel_loop3A_196, %parallel_loop3A_210 : i32
      %parallel_loop3A_212 = arith.constant 16 : i32
      %parallel_loop3A_213 = arith.muli %parallel_loop3A_211, %parallel_loop3A_212 : i32
      %parallel_loop3A_214 = arith.index_cast %parallel_loop3A_213 : i32 to index
      %parallel_loop3A_215 = tpu.vector_load %arg9[%parallel_loop3A_214] {strides = array<i32>} : memref<16384xf32, #tpu.memory_space<vmem>>, vector<16xf32>,
      tpu.vector_store %arg9[%parallel_loop3A_214], %parallel_loop3A_209 {strides = array<i32>} : memref<16384xf32, #tpu.memory_space<vmem>>, vector<16xf32>,
      %parallel_loop3A_216 = tpu.vector_load_idx %arg7[%parallel_loop3A_208] : memref<32768xf32, #tpu.memory_space<vmem>>[vector<16xi32>], vector<16xf32>,
      %parallel_loop3A_217 = arith.constant 2 : i32
      %parallel_loop3A_218 = arith.muli %parallel_loop3A_196, %parallel_loop3A_217 : i32
      %parallel_loop3A_219 = arith.constant 16 : i32
      %parallel_loop3A_220 = arith.muli %parallel_loop3A_218, %parallel_loop3A_219 : i32
      %parallel_loop3A_221 = arith.constant 16 : i32
      %parallel_loop3A_222 = arith.addi %parallel_loop3A_220, %parallel_loop3A_221 : i32
      %parallel_loop3A_223 = arith.index_cast %parallel_loop3A_222 : i32 to index
      %parallel_loop3A_224 = tpu.vector_load %arg9[%parallel_loop3A_223] {strides = array<i32>} : memref<16384xf32, #tpu.memory_space<vmem>>, vector<16xf32>,
      tpu.vector_store %arg9[%parallel_loop3A_223], %parallel_loop3A_216 {strides = array<i32>} : memref<16384xf32, #tpu.memory_space<vmem>>, vector<16xf32>,
    } {sc.loop_unroll_factor = 8 : i64, sc.parallel_access}
    %add3A_176 = arith.constant 3 : i32
    %add3A_177 = arith.addi %mul3A_2, %add3A_176 : i32
    %dma_start3A_178 = arith.constant 16384 : i32
    %dma_start3A_179 = tpu.memref_slice %arg4[%add3A_177, %dma_start3A_178] : memref<128x32768xf32, #tpu.memory_space<hbm>> -> memref<1x16384xf32, #tpu.memory_space<hbm>>
    %dma_start3A_180 = tpu.memref_squeeze %dma_start3A_179 : memref<1x16384xf32, #tpu.memory_space<hbm>> -> memref<16384xf32, #tpu.memory_space<hbm>>
    %dma_start3A_181 = arith.constant 16384 : i32
    %dma_start3A_182 = tpu.memref_slice %arg4[%add3A_177, %dma_start3A_181] : memref<128x32768xf32, #tpu.memory_space<hbm>> -> memref<1x16384xf32, #tpu.memory_space<hbm>>
    %dma_start3A_183 = tpu.memref_squeeze %dma_start3A_182 : memref<1x16384xf32, #tpu.memory_space<hbm>> -> memref<16384xf32, #tpu.memory_space<hbm>>
    tpu.enqueue_dma source(%arg9 : memref<16384xf32, #tpu.memory_space<vmem>>) target(%dma_start3A_183 : memref<16384xf32, #tpu.memory_space<hbm>>) target_semaphore(%arg13 : memref<!tpu.dma_semaphore, #tpu.memory_space<semaphore_mem>>)
    %dma_wait3A_184 = arith.constant 0 : i32
    %dma_wait3A_185 = tpu.memref_slice %arg4[%add3A_160, %dma_wait3A_184] : memref<128x32768xf32, #tpu.memory_space<hbm>> -> memref<1x16384xf32, #tpu.memory_space<hbm>>
    %dma_wait3A_186 = tpu.memref_squeeze %dma_wait3A_185 : memref<1x16384xf32, #tpu.memory_space<hbm>> -> memref<16384xf32, #tpu.memory_space<hbm>>
    %dma_wait3A_187 = arith.constant 0 : i32
    %dma_wait3A_188 = tpu.memref_slice %arg4[%add3A_160, %dma_wait3A_187] : memref<128x32768xf32, #tpu.memory_space<hbm>> -> memref<1x16384xf32, #tpu.memory_space<hbm>>
    %dma_wait3A_189 = tpu.memref_squeeze %dma_wait3A_188 : memref<1x16384xf32, #tpu.memory_space<hbm>> -> memref<16384xf32, #tpu.memory_space<hbm>>
    tpu.wait_dma2 semaphore(%arg12 : memref<!tpu.dma_semaphore, #tpu.memory_space<semaphore_mem>>) src(%arg8 : memref<16384xf32, #tpu.memory_space<vmem>>) dst(%dma_wait3A_189 : memref<16384xf32, #tpu.memory_space<hbm>>)
    %dma_wait3A_190 = arith.constant 16384 : i32
    %dma_wait3A_191 = tpu.memref_slice %arg4[%add3A_177, %dma_wait3A_190] : memref<128x32768xf32, #tpu.memory_space<hbm>> -> memref<1x16384xf32, #tpu.memory_space<hbm>>
    %dma_wait3A_192 = tpu.memref_squeeze %dma_wait3A_191 : memref<1x16384xf32, #tpu.memory_space<hbm>> -> memref<16384xf32, #tpu.memory_space<hbm>>
    %dma_wait3A_193 = arith.constant 16384 : i32
    %dma_wait3A_194 = tpu.memref_slice %arg4[%add3A_177, %dma_wait3A_193] : memref<128x32768xf32, #tpu.memory_space<hbm>> -> memref<1x16384xf32, #tpu.memory_space<hbm>>
    %dma_wait3A_195 = tpu.memref_squeeze %dma_wait3A_194 : memref<1x16384xf32, #tpu.memory_space<hbm>> -> memref<16384xf32, #tpu.memory_space<hbm>>
    tpu.wait_dma2 semaphore(%arg13 : memref<!tpu.dma_semaphore, #tpu.memory_space<semaphore_mem>>) src(%arg9 : memref<16384xf32, #tpu.memory_space<vmem>>) dst(%dma_wait3A_195 : memref<16384xf32, #tpu.memory_space<hbm>>)
    return
  }
}

</mosaic_0001>

<sc_bundles>
// kernel: kernel.3.cloned.1.call-start
scs
__scs_entry_jumppad:
0x0: {  	(pc) =	sbr.rel $0x88, $3  }
0x1: {  	(tag) =	ssettag $0x0;
	lr =	simm.s32 $0x1  }
0x2: {  	[smem:$0x3FA0] =	sst lr;
	_ =	strace $0xD0000000  }
0x3: {  	_ = 	snop  }
0x4: {  	_ = 	snop  }
0x5: {  	_ = 	snop  }
0x6: {  	_ = 	snop  }
0x7: {  	_ = 	snop  }
__scs_overlays_trampoline_lowered:
0x8: {  	[smem:$0x3FAF] =	sst s0  }
0x9: {  	[smem:$0x3FB0] =	sst s1  }
0xa: {  	[smem:$0x3FB1] =	sst s2  }
0xb: {  	[smem:$0x3FB2] =	sst s3  }
0xc: {  	[smem:$0x3FB3] =	sst s4  }
0xd: {  	[smem:$0x3FB4] =	sst s5  }
0xe: {  	[smem:$0x3FB5] =	sst s6  }
0xf: {  	[smem:$0x3FB6] =	sst s7  }
0x10: {  	[smem:$0x3FB7] =	sst s8  }
0x11: {  	[smem:$0x3FB8] =	sst s9;
	s0 =	simm.s32 @!p0 $0x0  }
0x12: {  	s1 =	sld [smem:$0x3F9E];
	s0 =	simm.s32 @p0 $0x1  }
0x13: {  	[smem:$0x3FB9] =	sst s0;
	s0 =	simm.s32 @!p1 $0x0  }
0x14: {  	s2 =	sld [smem:$0x3F9D];
	s0 =	simm.s32 @p1 $0x1  }
0x15: {  	[smem:$0x3FBA] =	sst s0;
	s0 =	simm.s32 @!p2 $0x0  }
0x16: {  	s3 =	sld [smem:$0x3FDB];
	s0 =	simm.s32 @p2 $0x1  }
0x17: {  	s4 =	simm.s32 $0x1BF5;
	[smem:$0x3FBC] =	sst s0  }
0x18: {  	s0 =	sld [smem:$0x3F9F];
	_ =	swait.ge [sflag:s4], $0x0  }
0x19: {  	s7 =	sld [smem:$0x3FA0]  }
0x1a: {  	s8 =	sadd.s32 $0xFFFFE003, lr  }
0x1b: {  	s9 =	sadd.s32 $0xFFFFFEF7, lr;
	s5 =	simm.s32 $0xFFFFFFFF;
	p2 =	slt.u32 s8, $0xFFFFF086  }
0x1c: {  	p1 =	slt.u32 s9, $0xF7A;
	s5 =	simm.s32 @!p2 $0x0  }
0x1d: {  	s5 =	simm.s32 @p1 $0x1;
	p0 =	seq.s32 s7, s2  }
0x1e: {  	s7 =	smul.u32 @!p0 $0xF7A, s2;
	p2 =	seq.s32 @!p0 s5, $0x0  }
0x1f: {  	s9 =	smul.u32 $0xF7A, s1;
	s8 =	simm.s32 @!p0 $0x1BF5;
	p2 =	por !p2, p0  }
0x20: {  	[sflag:s8] =	ssyncset.s32 @!p0 $0xFFFFF086;
	s6 =	sadd.s32 @!p0 s3, s7;
	s7 =	simm.s32 @!p0 $0x108  }
0x21: {  	s3 =	sadd.s32 s3, s9;
	s6 =	sadd.s32 @!p0 $0x88, s6;
	s7 =	simm.s32 @p2 $0x1082  }
0x22: {  	[simem:s7], [sflag:s8] =	dma.local @!p0 [hbm:s6], $0xF7A  }
0x23: {  	s9 =	sor.u32 $0xD0000000, s2;
	s6 =	simm.s32 $0x108;
	_ =	swait.ge @!p0 [sflag:s8], $0x0  }
0x24: {  	s3 =	sadd.s32 $0x88, s3;
	s6 =	simm.s32 @!p1 $0x1082;
	[sflag:s4] =	ssyncset.s32 $0xFFFFF086  }
0x25: {  	[simem:s6], [sflag:s4] =	dma.local [hbm:s3], $0xF7A  }
0x26: {  	[smem:$0x3FA0] =	sst s1;
	(tag) =	ssettag s2;
	_ =	strace s9  }
0x27: {  	s1 =	sld [smem:$0x3FB0]  }
0x28: {  	s2 =	sld [smem:$0x3FB1]  }
0x29: {  	s4 =	sld [smem:$0x3FB3]  }
0x2a: {  	p0 =	seq.s32 s5, $0x0;
	s5 =	sld [smem:$0x3FB4]  }
0x2b: {  	s6 =	sld [smem:$0x3FB5]  }
0x2c: {  	s7 =	sld [smem:$0x3FB6]  }
0x2d: {  	s3 =	simm.s32 $0x108;
	s8 =	sld [smem:$0x3FB7]  }
0x2e: {  	s3 =	simm.s32 @!p0 $0x1082;
	s9 =	sld [smem:$0x3FB8]  }
0x2f: {  	lr =	sadd.s32 s0, s3;
	s0 =	sld [smem:$0x3FAF]  }
0x30: {  	s3 =	sld [smem:$0x3FB2]  }
0x31: {  	[smem:$0x3FBB] =	sst s10  }
0x32: {  	s10 =	sld [smem:$0x3FB9];
	_ =	sdelay $0x3  }
0x33: {  	p0 =	seq.s32 s10, $0x1;
	s10 =	sld [smem:$0x3FBB];
	_ =	sdelay $0x3  }
0x34: {  	[smem:$0x3FBB] =	sst s10  }
0x35: {  	s10 =	sld [smem:$0x3FBA];
	_ =	sdelay $0x3  }
0x36: {  	p1 =	seq.s32 s10, $0x1;
	s10 =	sld [smem:$0x3FBB];
	_ =	sdelay $0x3  }
0x37: {  	[smem:$0x3FBB] =	sst s10  }
0x38: {  	s10 =	sld [smem:$0x3FBC]  }
0x39: {  	_ = 	snop;
	(pc) =	sbr.ind lr, $3  }
0x3a: {  	_ = 	snop  }
0x3b: {  	_ = 	snop  }
0x3c: {  	p2 =	seq.s32 s10, $0x1;
	s10 =	sld [smem:$0x3FBB]  }
0x3d: {  	_ =	shalt  }
0x3e: {  	_ =	shalt  }
0x3f: {  	_ =	shalt  }
0x40: {  	_ =	shalt  }
0x41: {  	_ =	shalt  }
0x42: {  	_ =	shalt  }
0x43: {  	_ =	shalt  }
0x44: {  	_ =	shalt  }
0x45: {  	_ =	shalt  }
0x46: {  	_ =	shalt  }
0x47: {  	_ =	shalt  }
0x48: {  	_ =	shalt  }
0x49: {  	_ =	shalt  }
0x4a: {  	_ =	shalt  }
0x4b: {  	_ =	shalt  }
0x4c: {  	_ =	shalt  }
0x4d: {  	_ =	shalt  }
0x4e: {  	_ =	shalt  }
0x4f: {  	_ =	shalt  }
0x50: {  	_ =	shalt  }
0x51: {  	_ =	shalt  }
0x52: {  	_ =	shalt  }
0x53: {  	_ =	shalt  }
0x54: {  	_ =	shalt  }
0x55: {  	_ =	shalt  }
0x56: {  	_ =	shalt  }
0x57: {  	_ =	shalt  }
0x58: {  	_ =	shalt  }
0x59: {  	_ =	shalt  }
0x5a: {  	_ =	shalt  }
0x5b: {  	_ =	shalt  }
0x5c: {  	_ =	shalt  }
0x5d: {  	_ =	shalt  }
0x5e: {  	_ =	shalt  }
0x5f: {  	_ =	shalt  }
0x60: {  	_ =	shalt  }
0x61: {  	_ =	shalt  }
0x62: {  	_ =	shalt  }
0x63: {  	_ =	shalt  }
0x64: {  	_ =	shalt  }
0x65: {  	_ =	shalt  }
0x66: {  	_ =	shalt  }
0x67: {  	_ =	shalt  }
0x68: {  	_ =	shalt  }
0x69: {  	_ =	shalt  }
0x6a: {  	_ =	shalt  }
0x6b: {  	_ =	shalt  }
0x6c: {  	_ =	shalt  }
0x6d: {  	_ =	shalt  }
0x6e: {  	_ =	shalt  }
0x6f: {  	_ =	shalt  }
0x70: {  	_ =	shalt  }
0x71: {  	_ =	shalt  }
0x72: {  	_ =	shalt  }
0x73: {  	_ =	shalt  }
0x74: {  	_ =	shalt  }
0x75: {  	_ =	shalt  }
0x76: {  	_ =	shalt  }
0x77: {  	_ =	shalt  }
0x78: {  	_ =	shalt  }
0x79: {  	_ =	shalt  }
0x7a: {  	_ =	shalt  }
0x7b: {  	_ =	shalt  }
0x7c: {  	_ =	shalt  }
0x7d: {  	_ =	shalt  }
0x7e: {  	_ =	shalt  }
0x7f: {  	_ =	shalt  }
0x80: {  	_ =	shalt  }
0x81: {  	_ =	shalt  }
0x82: {  	_ =	shalt  }
0x83: {  	_ =	shalt  }
0x84: {  	_ =	shalt  }
0x85: {  	_ =	shalt  }
0x86: {  	_ =	shalt  }
0x87: {  	_ =	shalt  }
.Lfunc_end0:
.L_simem_size_0:
called_computation_lowered:
.L_overlay_start_0:
0x88: {  	s2 =	sld [smem:$0x3FD9]  }
0x89: {  	s3 =	sld [smem:$0x3FFE];
	_ =	sdelay $0x1  }
0x8a: {  	s1 =	srdreg.scid  }
0x8b: {  	s0 =	sand.u32 $0x1, s1  }
0x8c: {  	s17 =	sshll.u32 s0, $0xA;
	s2 =	sadd.s32 s3, s2  }
0x8d: {  	s2 =	sadd.s32 s2, s17  }
0x8e: {  	[smem:$0x3FC7] =	sst s2  }
0x8f: {  	_ = 	snop  }
0x90: {  	s2 =	sld [smem:$0x3FC9]  }
0x91: {  	s18 =	sld [smem:$0x3FD0];
	(tm) =	ssettm $0x1  }
0x92: {  	s4 =	sld [smem:$0x3FFB];
	_ =	sdelay $0x3  }
0x93: {  	_ =	strace s4  }
0x94: {  	s4 =	sld [smem:$0x3FFC];
	_ =	sdelay $0x3  }
0x95: {  	_ =	strace s4  }
0x96: {  	s4 =	sld [smem:$0x3FFD];
	_ =	sdelay $0x3  }
0x97: {  	_ =	strace s4  }
0x98: {  	_ =	strace $0x8FFFFFFF  }
0x99: {  	s19 =	sld [smem:$0x3FDB];
	_ =	sdelay $0x1  }
0x9a: {  	s5 =	simm.s32 $_scs_section_size  }
0x9b: {  	s6 =	simm.s32 $_size__tile_overlayer_lowered;
	s7 =	simm.s32 $_tile_overlayer_lowered  }
0x9c: {  	s22 =	simm.s32 $0x1BFF;
	s21 =	sshll.u32 s7, $0x1;
	s4 =	sadd.s32 s5, s19  }
0x9d: {  	s8 =	simm.s32 $0x0;
	s20 =	sshll.u32 s6, $0x1;
	s6 =	sadd.s32 s21, s4  }
0x9e: {  	[timem:s8], [sflag:s22] =	dma.local [hbm:s6], s20  }
0x9f: {  	_ =	swait.ge [sflag:s22], s20  }
0xa0: {  	s5 =	ssub.s32 $0x0, s20;
	[sflag:s22] =	ssyncset.done $0x0  }
0xa1: {  	[sflag:s22] =	ssyncadd.s32 s5;
	_ =	sdelay $0x1  }
0xa2: {  	s23 =	simm.s32 $0x1B8B  }
0xa3: {  	_ =	swait.ge [sflag:s23], $0x1  }
0xa4: {  	[sflag:s23] =	ssyncset.done $0x0  }
0xa5: {  	s25 =	simm.s32 $0x1B8E;
	s24 =	sld [smem:$0x3FFE];
	[sflag:s23] =	ssyncadd.s32 $0xFFFFFFFF  }
0xa6: {  	s26 =	simm.s32 $execute0_lowered;
	[smem:$0x3FD2] =	sst s25  }
0xa7: {  	s6 =	sshll.u32 s26, $0x1;
	_ =	strace $0x80000046;
	[dreg:$0x1] =	wrdreg $0xFFFFFFFF  }
0xa8: {  	s28 =	simm.s32 $_size_execute0_lowered;
	s4 =	sadd.s32 s4, s6;
	[dreg:$0x0] =	wrdreg $0x0  }
0xa9: {  	s6 =	sshll.u32 s28, $0x1;
	[dreg:$0x2] =	wrdreg s4  }
0xaa: {  	[dreg:$0x3] =	wrdreg s6  }
0xab: {  	[dreg:$0x4] =	wrdreg $0xC0  }
0xac: {  	_ =	task [dreg:s8], $0x5FFFF  }
0xad: {  	[dreg:$0x1] =	wrdreg $0xFFFFFFFF  }
0xae: {  	[dreg:$0x0] =	wrdreg $0x60  }
0xaf: {  	[dreg:$0x2] =	wrdreg s2  }
0xb0: {  	[dreg:$0x3] =	wrdreg s24  }
0xb1: {  	[dreg:$0x4] =	wrdreg s18  }
0xb2: {  	[dreg:$0x5] =	wrdreg $0x9  }
0xb3: {  	_ =	task.clear_ibuf [dreg:s8], $0x6FFFF;
	_ =	strace $0x90000046  }
0xb4: {  	s29 =	simm.s32 $0x9;
	_ =	strace $0x80000048  }
0xb5: {  	_ =	swait.ge [sflag:s29], $0x1  }
0xb6: {  	[sflag:s29] =	ssyncadd.s32 $0xFFFFFFFF  }
0xb7: {  	_ =	strace $0x90000048  }
0xb8: {  	_ =	sfence  }
0xb9: {  	s30 =	sld [smem:$0x0];
	_ =	sdelay $0x2  }
0xba: {  	s31 =	sshll.u32 s1, $0xD;
	s1 =	sshrl.u32 s1, $0x2  }
0xbb: {  	s3 =	sand.u32 $0x4000, s31;
	s1 =	sadd.s32 s1, s30  }
0xbc: {  	s0 =	sor.u32 s3, s0;
	s1 =	sshll.u32 s1, $0x11  }
0xbd: {  	s0 =	sor.u32 s1, s0  }
0xbe: {  	s0 =	sadd.s32 $0x8F2B, s0  }
0xbf: {  	[sflag:s0] =	ssyncadd.remote.s32 $0x1  }
0xc0: {  	_ =	sfence.sel $0xFFFF  }
0xc1: {  	[dreg:$0x0] =	wrdreg $0xFFFFFFFF;
	(pc) =	sbr.abs _section_cstart, $3  }
0xc2: {  	[dreg:$0x1] =	wrdreg $0xFFFFFFFF  }
0xc3: {  	_ =	task.clear_ibuf [dreg:s8], $0x2FFFF;
	_ =	strace $0x9FFFFFFF  }
0xc4: {  	(tm) =	ssettm $0x7FFFFFFF  }
0xc5: {  	_ =	shalt  }
tec
execute0_lowered:
.L_overlay_start_1:
0x0: {  	(tag) =	ssettag $0x1  }
0x1: {  	s0 =	rddreg [dreg:$0x0]  }
0x2: {  	s3 =	rddreg [dreg:$0x1]  }
0x3: {  	s14 =	rddreg [dreg:$0x2]  }
0x4: {  	s2 =	simm.s32 $0x0;
	s4 =	srdreg.scid;
	s1 =	stileid.u32  }
0x5: {  	s18 =	simm.s32 $0x400;
	s19 =	simm.s32 $0x4000;
	s20 =	simm.s32 $0x5  }
0x6: {  	s21 =	simm.s32 $0x1;
	s22 =	simm.s32 $0xC000;
	s23 =	simm.s32 $0x14000  }
0x7: {  	s24 =	simm.s32 $0x18000;
	s25 =	simm.s32 $0x2;
	s26 =	simm.s32 $0x3  }
0x8: {  	s28 =	simm.s32 $0x4;
	s29 =	simm.s32 $0x0;
	[smem:$0x7FF] =	sst s2  }
0x9: {  	s4 =	sand.u32 $0x1, s4;
	s6 =	sshll.u32 s1, $0xF;
	s3 =	sadd.s32 $0x400, s3  }
0xa: {  	s15 =	sadd.s32 $0x4000, s14;
	s5 =	ssub.s32 $0x2, s4;
	s4 =	sshll.u32 s4, $0x6  }
0xb: {  	_ =	strace $0x80000047;
	s7 =	sshrl.u32 s5, $0x1;
	s11 =	sor.u32 s4, s6  }
0xc: {  	s16 =	ssub.s32 s5, s7;
	s4 =	sadd.s32 s0, s11;
	s10 =	sor.u32 $0x10, s11  }
0xd: {  	s13 =	sor.u32 $0x20, s11;
	s6 =	sadd.s32 s14, s11;
	s7 =	sadd.s32 s11, s15  }
0xe: {  	s17 =	sor.u32 $0x30, s11;
	s5 =	sadd.s32 s0, s10;
	s8 =	sadd.s32 s0, s13  }
0xf: {  	s9 =	sadd.s32 s14, s10;
	s10 =	sadd.s32 s10, s15;
	s11 =	sadd.s32 s0, s17  }
0x10: {  	s12 =	sadd.s32 s14, s13;
	s13 =	sadd.s32 s13, s15;
	s14 =	sadd.s32 s14, s17  }
0x11: {  	s15 =	sadd.s32 s17, s15;
	s16 =	smax.u32 s16, $0x1;
	s17 =	simm.s32 $0x80  }
.LBB2_1:
0x12: {  	[tilespmem:s19], [sflag:$0x1] =	stream.strided.gather [hbm4b:s4+s17], $0x8000, s18, s17, $0x38;
	[tilespmem:$0x1C000] =	vst v63  }
0x13: {  	_ = 	snop  }
0x14: {  	[tilespmem:s2], [sflag:$0x5] =	stream.linear.gather [hbm4b:s3+s2], $0x4000, $0x38;
	[tilespmem:$0x1C000] =	vst v63  }
0x15: {  	_ =	swait.ge [sflag:s20], $0x4000  }
0x16: {  	[sflag:s20] =	ssyncset.done $0x0  }
0x17: {  	[sflag:s20] =	ssyncadd.s32 $0xFFFFC000  }
0x18: {  	_ =	swait.ge [sflag:s21], $0x8000  }
0x19: {  	[sflag:s21] =	ssyncset.done $0x0  }
0x1a: {  	s0 =	simm.s32 $0x40;
	[sflag:s21] =	ssyncadd.s32 $0xFFFF8000  }
0x1b: {  	[tilespmem:s22], [sflag:$0x2] =	stream.strided.gather [hbm4b:s5+s17], $0x8000, s18, s17, $0x38;
	[tilespmem:$0x1C000] =	vst v63  }
0x1c: {  	v0 =	vld [tilespmem:s0+$0x30]  }
0x1d: {  	v1 =	vld [tilespmem:s0+$0xFFFFFFD0]  }
0x1e: {  	v2 =	vld [tilespmem:s0+$0xFFFFFFE0]  }
0x1f: {  	v3 =	vld [tilespmem:s0+$0xFFFFFFF0]  }
0x20: {  	v4 =	vld [tilespmem:s0+$0x0]  }
0x21: {  	v5 =	vld [tilespmem:s0+$0x10];
	v6 =	vand.u32 $0xFFFF, v0  }
0x22: {  	v8 =	vld [tilespmem:s0+$0x20];
	v7 =	vand.u32 $0xFFFF, v1  }
0x23: {  	v10 =	vld [tilespmem:s0+$0xFFFFFFC0];
	v9 =	vand.u32 $0xFFFF, v2  }
0x24: {  	v11 =	vand.u32 $0xFFFF, v3  }
0x25: {  	v12 =	vand.u32 $0xFFFF, v4  }
0x26: {  	v13 =	vand.u32 $0xFFFF, v5;
	v6 =	vld.idx.msk [tilespmem:v6+s19+$0x0], $0xffff  }
0x27: {  	v14 =	vand.u32 $0xFFFF, v8;
	v7 =	vld.idx.msk [tilespmem:v7+s19+$0x0], $0xffff  }
0x28: {  	v15 =	vand.u32 $0xFFFF, v10;
	v9 =	vld.idx.msk [tilespmem:v9+s19+$0x0], $0xffff  }
0x29: {  	v0 =	vshrl.u32 v0, $0x10;
	v11 =	vld.idx.msk [tilespmem:v11+s19+$0x0], $0xffff  }
0x2a: {  	v1 =	vshrl.u32 v1, $0x10;
	v12 =	vld.idx.msk [tilespmem:v12+s19+$0x0], $0xffff  }
0x2b: {  	s30 =	simm.s32 $0x14080;
	v16 =	vshrl.u32 v2, $0x10;
	v13 =	vld.idx.msk [tilespmem:v13+s19+$0x0], $0xffff  }
0x2c: {  	v17 =	vshrl.u32 v3, $0x10;
	v14 =	vld.idx.msk [tilespmem:v14+s19+$0x0], $0xffff;
	[tilespmem:s30+$0x60] =	vst v6  }
0x2d: {  	v2 =	vld.idx.msk [tilespmem:v15+s19+$0x0], $0xffff;
	v6 =	vshrl.u32 v4, $0x10;
	[tilespmem:s30+$0xFFFFFFA0] =	vst v7  }
0x2e: {  	v7 =	vshrl.u32 v5, $0x10;
	[tilespmem:s30+$0xFFFFFFC0] =	vst v9;
	v18 =	vld.idx.msk [tilespmem:v0+s19+$0x0], $0xffff  }
0x2f: {  	[tilespmem:s30+$0xFFFFFFE0] =	vst v11;
	v3 =	vld.idx.msk [tilespmem:v1+s19+$0x0], $0xffff  }
0x30: {  	[tilespmem:s30+$0x0] =	vst v12;
	v4 =	vld.idx.msk [tilespmem:v16+s19+$0x0], $0xffff  }
0x31: {  	[tilespmem:s30+$0x20] =	vst v13;
	v5 =	vld.idx.msk [tilespmem:v17+s19+$0x0], $0xffff  }
0x32: {  	[tilespmem:s30+$0x40] =	vst v14;
	v6 =	vld.idx.msk [tilespmem:v6+s19+$0x0], $0xffff  }
0x33: {  	s31 =	simm.s32 $0x0;
	s0 =	simm.s32 $0xC0;
	v0 =	vshrl.u32 v8, $0x10;
	v1 =	vshrl.u32 v10, $0x10;
	v7 =	vld.idx.msk [tilespmem:v7+s19+$0x0], $0xffff;
	[tilespmem:s30+$0x70] =	vst v18  }
.LBB2_2:
0x34: {  	v8 =	vld [tilespmem:s0+$0x30];
	s31 =	sadd.s32 $0x8, s31;
	[tilespmem:s30+$0xFFFFFF80] =	vst v2  }
0x35: {  	v2 =	vld [tilespmem:s0+$0xFFFFFFD0];
	p0 =	slt.u32 s31, $0x1F8;
	[tilespmem:s30+$0xFFFFFFB0] =	vst v3  }
0x36: {  	v3 =	vld [tilespmem:s0+$0xFFFFFFE0];
	[tilespmem:s30+$0xFFFFFFD0] =	vst v4  }
0x37: {  	v4 =	vld [tilespmem:s0+$0xFFFFFFF0];
	[tilespmem:s30+$0xFFFFFFF0] =	vst v5  }
0x38: {  	v5 =	vld [tilespmem:s0+$0x0];
	[tilespmem:s30+$0x10] =	vst v6  }
0x39: {  	v6 =	vld [tilespmem:s0+$0x10];
	v9 =	vand.u32 $0xFFFF, v8;
	[tilespmem:s30+$0x30] =	vst v7  }
0x3a: {  	v7 =	vshrl.u32 v2, $0x10;
	v2 =	vand.u32 $0xFFFF, v2;
	v10 =	vld [tilespmem:s0+$0x20]  }
0x3b: {  	v11 =	vld [tilespmem:s0+$0xFFFFFFC0];
	v12 =	vshrl.u32 v3, $0x10;
	v3 =	vand.u32 $0xFFFF, v3  }
0x3c: {  	v13 =	vshrl.u32 v4, $0x10;
	v4 =	vand.u32 $0xFFFF, v4;
	v14 =	vld.idx.msk [tilespmem:v1+s19+$0x0], $0xffff  }
0x3d: {  	v15 =	vshrl.u32 v5, $0x10;
	v5 =	vand.u32 $0xFFFF, v5;
	v16 =	vld.idx.msk [tilespmem:v0+s19+$0x0], $0xffff  }
0x3e: {  	v17 =	vshrl.u32 v6, $0x10;
	v6 =	vand.u32 $0xFFFF, v6;
	v9 =	vld.idx.msk [tilespmem:v9+s19+$0x0], $0xffff  }
0x3f: {  	v2 =	vld.idx.msk [tilespmem:v2+s19+$0x0], $0xffff;
	v0 =	vshrl.u32 v10, $0x10;
	v10 =	vand.u32 $0xFFFF, v10  }
0x40: {  	v8 =	vshrl.u32 v8, $0x10;
	v1 =	vshrl.u32 v11, $0x10;
	v11 =	vand.u32 $0xFFFF, v11;
	v3 =	vld.idx.msk [tilespmem:v3+s19+$0x0], $0xffff  }
0x41: {  	v4 =	vld.idx.msk [tilespmem:v4+s19+$0x0], $0xffff  }
0x42: {  	v5 =	vld.idx.msk [tilespmem:v5+s19+$0x0], $0xffff;
	[tilespmem:s30+$0xFFFFFF90] =	vst v14  }
0x43: {  	v6 =	vld.idx.msk [tilespmem:v6+s19+$0x0], $0xffff;
	[tilespmem:s30+$0x50] =	vst v16;
	s30 =	sadd.s32 $0x100, s30  }
0x44: {  	v10 =	vld.idx.msk [tilespmem:v10+s19+$0x0], $0xffff;
	[tilespmem:s30+$0x60] =	vst v9  }
0x45: {  	[tilespmem:s30+$0xFFFFFFA0] =	vst v2;
	v8 =	vld.idx.msk [tilespmem:v8+s19+$0x0], $0xffff  }
0x46: {  	v2 =	vld.idx.msk [tilespmem:v11+s19+$0x0], $0xffff;
	[tilespmem:s30+$0xFFFFFFC0] =	vst v3  }
.Ltmp0:
0x47: {  	v3 =	vld.idx.msk [tilespmem:v7+s19+$0x0], $0xffff;
	[tilespmem:s30+$0xFFFFFFE0] =	vst v4;
	(pc) =	sbr.rel @p0 .LBB2_2-.Ltmp0, $4  }
0x48: {  	v4 =	vld.idx.msk [tilespmem:v12+s19+$0x0], $0xffff;
	[tilespmem:s30+$0x0] =	vst v5  }
0x49: {  	v5 =	vld.idx.msk [tilespmem:v13+s19+$0x0], $0xffff;
	[tilespmem:s30+$0x20] =	vst v6  }
0x4a: {  	v6 =	vld.idx.msk [tilespmem:v15+s19+$0x0], $0xffff;
	[tilespmem:s30+$0x40] =	vst v10  }
0x4b: {  	s0 =	sadd.s32 $0x80, s0;
	v7 =	vld.idx.msk [tilespmem:v17+s19+$0x0], $0xffff;
	[tilespmem:s30+$0x70] =	vst v8  }
0x4c: {  	_ =	sdelay $0x2  }
0x4d: {  	[tilespmem:s30+$0xFFFFFF80] =	vst v2  }
0x4e: {  	[tilespmem:s30+$0xFFFFFFB0] =	vst v3;
	v0 =	vld.idx.msk [tilespmem:v0+s19+$0x0], $0xffff  }
0x4f: {  	v1 =	vld.idx.msk [tilespmem:v1+s19+$0x0], $0xffff;
	[tilespmem:s30+$0xFFFFFFD0] =	vst v4  }
0x50: {  	[tilespmem:s30+$0xFFFFFFF0] =	vst v5  }
0x51: {  	[tilespmem:s30+$0x10] =	vst v6  }
0x52: {  	[tilespmem:s30+$0x30] =	vst v7  }
0x53: {  	[tilespmem:s30+$0x50] =	vst v0  }
0x54: {  	s0 =	simm.s32 $0x2070;
	[tilespmem:s30+$0xFFFFFF90] =	vst v1  }
0x55: {  	[hbm4b:s6+s17] =	stream.strided.scatter [tilespmem:s23], [sflag:$0x3], $0x4000, s18, s17, $0x38;
	[tilespmem:$0x1C000] =	vst v63  }
0x56: {  	v0 =	vld [tilespmem:s0+$0x0]  }
0x57: {  	v1 =	vld [tilespmem:s0+$0xFFFFFFA0]  }
0x58: {  	v2 =	vld [tilespmem:s0+$0xFFFFFFB0]  }
0x59: {  	v3 =	vld [tilespmem:s0+$0xFFFFFFC0]  }
0x5a: {  	v4 =	vld [tilespmem:s0+$0xFFFFFFD0]  }
0x5b: {  	v5 =	vld [tilespmem:s0+$0xFFFFFFE0];
	v6 =	vand.u32 $0xFFFF, v0  }
0x5c: {  	v8 =	vld [tilespmem:s0+$0xFFFFFFF0];
	v7 =	vand.u32 $0xFFFF, v1  }
0x5d: {  	v10 =	vld [tilespmem:s0+$0xFFFFFF90];
	v9 =	vand.u32 $0xFFFF, v2  }
0x5e: {  	v11 =	vand.u32 $0xFFFF, v3  }
0x5f: {  	v12 =	vand.u32 $0xFFFF, v4  }
0x60: {  	v13 =	vand.u32 $0xFFFF, v5;
	v6 =	vld.idx.msk [tilespmem:v6+s19+$0x0], $0xffff  }
0x61: {  	v14 =	vand.u32 $0xFFFF, v8;
	v7 =	vld.idx.msk [tilespmem:v7+s19+$0x0], $0xffff  }
0x62: {  	v15 =	vand.u32 $0xFFFF, v10;
	v9 =	vld.idx.msk [tilespmem:v9+s19+$0x0], $0xffff  }
0x63: {  	v0 =	vshrl.u32 v0, $0x10;
	v11 =	vld.idx.msk [tilespmem:v11+s19+$0x0], $0xffff  }
0x64: {  	v1 =	vshrl.u32 v1, $0x10;
	v12 =	vld.idx.msk [tilespmem:v12+s19+$0x0], $0xffff  }
0x65: {  	s30 =	simm.s32 $0x18080;
	v16 =	vshrl.u32 v2, $0x10;
	v13 =	vld.idx.msk [tilespmem:v13+s19+$0x0], $0xffff  }
0x66: {  	v17 =	vshrl.u32 v3, $0x10;
	v14 =	vld.idx.msk [tilespmem:v14+s19+$0x0], $0xffff;
	[tilespmem:s30+$0x60] =	vst v6  }
0x67: {  	v2 =	vld.idx.msk [tilespmem:v15+s19+$0x0], $0xffff;
	v6 =	vshrl.u32 v4, $0x10;
	[tilespmem:s30+$0xFFFFFFA0] =	vst v7  }
0x68: {  	v7 =	vshrl.u32 v5, $0x10;
	[tilespmem:s30+$0xFFFFFFC0] =	vst v9;
	v18 =	vld.idx.msk [tilespmem:v0+s19+$0x0], $0xffff  }
0x69: {  	[tilespmem:s30+$0xFFFFFFE0] =	vst v11;
	v3 =	vld.idx.msk [tilespmem:v1+s19+$0x0], $0xffff  }
0x6a: {  	[tilespmem:s30+$0x0] =	vst v12;
	v4 =	vld.idx.msk [tilespmem:v16+s19+$0x0], $0xffff  }
0x6b: {  	[tilespmem:s30+$0x20] =	vst v13;
	v5 =	vld.idx.msk [tilespmem:v17+s19+$0x0], $0xffff  }
0x6c: {  	[tilespmem:s30+$0x40] =	vst v14;
	v6 =	vld.idx.msk [tilespmem:v6+s19+$0x0], $0xffff  }
0x6d: {  	s31 =	simm.s32 $0x0;
	s0 =	simm.s32 $0x20F0;
	v0 =	vshrl.u32 v8, $0x10;
	v1 =	vshrl.u32 v10, $0x10;
	v7 =	vld.idx.msk [tilespmem:v7+s19+$0x0], $0xffff;
	[tilespmem:s30+$0x70] =	vst v18  }
.LBB2_4:
0x6e: {  	v8 =	vld [tilespmem:s0+$0x0];
	s31 =	sadd.s32 $0x8, s31;
	[tilespmem:s30+$0xFFFFFF80] =	vst v2  }
0x6f: {  	v2 =	vld [tilespmem:s0+$0xFFFFFFA0];
	p0 =	slt.u32 s31, $0x1F8;
	[tilespmem:s30+$0xFFFFFFB0] =	vst v3  }
0x70: {  	v3 =	vld [tilespmem:s0+$0xFFFFFFB0];
	[tilespmem:s30+$0xFFFFFFD0] =	vst v4  }
0x71: {  	v4 =	vld [tilespmem:s0+$0xFFFFFFC0];
	[tilespmem:s30+$0xFFFFFFF0] =	vst v5  }
0x72: {  	v5 =	vld [tilespmem:s0+$0xFFFFFFD0];
	[tilespmem:s30+$0x10] =	vst v6  }
0x73: {  	v6 =	vld [tilespmem:s0+$0xFFFFFFE0];
	v9 =	vand.u32 $0xFFFF, v8;
	[tilespmem:s30+$0x30] =	vst v7  }
0x74: {  	v7 =	vshrl.u32 v2, $0x10;
	v2 =	vand.u32 $0xFFFF, v2;
	v10 =	vld [tilespmem:s0+$0xFFFFFFF0]  }
0x75: {  	v11 =	vld [tilespmem:s0+$0xFFFFFF90];
	v12 =	vshrl.u32 v3, $0x10;
	v3 =	vand.u32 $0xFFFF, v3  }
0x76: {  	v13 =	vshrl.u32 v4, $0x10;
	v4 =	vand.u32 $0xFFFF, v4;
	v14 =	vld.idx.msk [tilespmem:v1+s19+$0x0], $0xffff  }
0x77: {  	v15 =	vshrl.u32 v5, $0x10;
	v5 =	vand.u32 $0xFFFF, v5;
	v16 =	vld.idx.msk [tilespmem:v0+s19+$0x0], $0xffff  }
0x78: {  	v17 =	vshrl.u32 v6, $0x10;
	v6 =	vand.u32 $0xFFFF, v6;
	v9 =	vld.idx.msk [tilespmem:v9+s19+$0x0], $0xffff  }
0x79: {  	v2 =	vld.idx.msk [tilespmem:v2+s19+$0x0], $0xffff;
	v0 =	vshrl.u32 v10, $0x10;
	v10 =	vand.u32 $0xFFFF, v10  }
0x7a: {  	v8 =	vshrl.u32 v8, $0x10;
	v1 =	vshrl.u32 v11, $0x10;
	v11 =	vand.u32 $0xFFFF, v11;
	v3 =	vld.idx.msk [tilespmem:v3+s19+$0x0], $0xffff  }
0x7b: {  	v4 =	vld.idx.msk [tilespmem:v4+s19+$0x0], $0xffff  }
0x7c: {  	v5 =	vld.idx.msk [tilespmem:v5+s19+$0x0], $0xffff;
	[tilespmem:s30+$0xFFFFFF90] =	vst v14  }
0x7d: {  	v6 =	vld.idx.msk [tilespmem:v6+s19+$0x0], $0xffff;
	[tilespmem:s30+$0x50] =	vst v16;
	s30 =	sadd.s32 $0x100, s30  }
0x7e: {  	v10 =	vld.idx.msk [tilespmem:v10+s19+$0x0], $0xffff;
	[tilespmem:s30+$0x60] =	vst v9  }
0x7f: {  	[tilespmem:s30+$0xFFFFFFA0] =	vst v2;
	v8 =	vld.idx.msk [tilespmem:v8+s19+$0x0], $0xffff  }
0x80: {  	v2 =	vld.idx.msk [tilespmem:v11+s19+$0x0], $0xffff;
	[tilespmem:s30+$0xFFFFFFC0] =	vst v3  }
.Ltmp1:
0x81: {  	v3 =	vld.idx.msk [tilespmem:v7+s19+$0x0], $0xffff;
	[tilespmem:s30+$0xFFFFFFE0] =	vst v4;
	(pc) =	sbr.rel @p0 .LBB2_4-.Ltmp1, $4  }
0x82: {  	v4 =	vld.idx.msk [tilespmem:v12+s19+$0x0], $0xffff;
	[tilespmem:s30+$0x0] =	vst v5  }
0x83: {  	v5 =	vld.idx.msk [tilespmem:v13+s19+$0x0], $0xffff;
	[tilespmem:s30+$0x20] =	vst v6  }
0x84: {  	v6 =	vld.idx.msk [tilespmem:v15+s19+$0x0], $0xffff;
	[tilespmem:s30+$0x40] =	vst v10  }
0x85: {  	s0 =	sadd.s32 $0x80, s0;
	v7 =	vld.idx.msk [tilespmem:v17+s19+$0x0], $0xffff;
	[tilespmem:s30+$0x70] =	vst v8  }
0x86: {  	_ =	sdelay $0x2  }
0x87: {  	[tilespmem:s30+$0xFFFFFF80] =	vst v2  }
0x88: {  	[tilespmem:s30+$0xFFFFFFB0] =	vst v3;
	v0 =	vld.idx.msk [tilespmem:v0+s19+$0x0], $0xffff  }
0x89: {  	v1 =	vld.idx.msk [tilespmem:v1+s19+$0x0], $0xffff;
	[tilespmem:s30+$0xFFFFFFD0] =	vst v4  }
0x8a: {  	[tilespmem:s30+$0xFFFFFFF0] =	vst v5  }
0x8b: {  	[tilespmem:s30+$0x10] =	vst v6  }
0x8c: {  	[tilespmem:s30+$0x30] =	vst v7  }
0x8d: {  	[tilespmem:s30+$0x50] =	vst v0  }
0x8e: {  	[tilespmem:s30+$0xFFFFFF90] =	vst v1  }
0x8f: {  	[hbm4b:s7+s17] =	stream.strided.scatter [tilespmem:s24], [sflag:$0x4], $0x4000, s18, s17, $0x38;
	[tilespmem:$0x1C000] =	vst v63  }
0x90: {  	_ =	swait.ge [sflag:s25], $0x8000  }
0x91: {  	[sflag:s25] =	ssyncset.done $0x0  }
0x92: {  	[sflag:s25] =	ssyncadd.s32 $0xFFFF8000  }
0x93: {  	[tilespmem:s19], [sflag:$0x1] =	stream.strided.gather [hbm4b:s8+s17], $0x8000, s18, s17, $0x38;
	[tilespmem:$0x1C000] =	vst v63  }
0x94: {  	_ =	swait.ge [sflag:s26], $0x4000  }
0x95: {  	[sflag:s26] =	ssyncset.done $0x0  }
0x96: {  	s0 =	simm.s32 $0x40;
	[sflag:s26] =	ssyncadd.s32 $0xFFFFC000  }
0x97: {  	v0 =	vld [tilespmem:s0+$0x30]  }
0x98: {  	v1 =	vld [tilespmem:s0+$0xFFFFFFD0]  }
0x99: {  	v2 =	vld [tilespmem:s0+$0xFFFFFFE0]  }
0x9a: {  	v3 =	vld [tilespmem:s0+$0xFFFFFFF0]  }
0x9b: {  	v4 =	vld [tilespmem:s0+$0x0]  }
0x9c: {  	v5 =	vld [tilespmem:s0+$0x10];
	v6 =	vand.u32 $0xFFFF, v0  }
0x9d: {  	v8 =	vld [tilespmem:s0+$0x20];
	v7 =	vand.u32 $0xFFFF, v1  }
0x9e: {  	v10 =	vld [tilespmem:s0+$0xFFFFFFC0];
	v9 =	vand.u32 $0xFFFF, v2  }
0x9f: {  	v11 =	vand.u32 $0xFFFF, v3  }
0xa0: {  	v12 =	vand.u32 $0xFFFF, v4  }
0xa1: {  	v13 =	vand.u32 $0xFFFF, v5;
	v6 =	vld.idx.msk [tilespmem:v6+s22+$0x0], $0xffff  }
0xa2: {  	v14 =	vand.u32 $0xFFFF, v8;
	v7 =	vld.idx.msk [tilespmem:v7+s22+$0x0], $0xffff  }
0xa3: {  	v15 =	vand.u32 $0xFFFF, v10;
	v9 =	vld.idx.msk [tilespmem:v9+s22+$0x0], $0xffff  }
0xa4: {  	v0 =	vshrl.u32 v0, $0x10;
	v11 =	vld.idx.msk [tilespmem:v11+s22+$0x0], $0xffff  }
0xa5: {  	v1 =	vshrl.u32 v1, $0x10;
	v12 =	vld.idx.msk [tilespmem:v12+s22+$0x0], $0xffff  }
0xa6: {  	s30 =	simm.s32 $0x14080;
	v16 =	vshrl.u32 v2, $0x10;
	v13 =	vld.idx.msk [tilespmem:v13+s22+$0x0], $0xffff  }
0xa7: {  	v17 =	vshrl.u32 v3, $0x10;
	v14 =	vld.idx.msk [tilespmem:v14+s22+$0x0], $0xffff;
	[tilespmem:s30+$0x60] =	vst v6  }
0xa8: {  	v2 =	vld.idx.msk [tilespmem:v15+s22+$0x0], $0xffff;
	v6 =	vshrl.u32 v4, $0x10;
	[tilespmem:s30+$0xFFFFFFA0] =	vst v7  }
0xa9: {  	v7 =	vshrl.u32 v5, $0x10;
	[tilespmem:s30+$0xFFFFFFC0] =	vst v9;
	v18 =	vld.idx.msk [tilespmem:v0+s22+$0x0], $0xffff  }
0xaa: {  	[tilespmem:s30+$0xFFFFFFE0] =	vst v11;
	v3 =	vld.idx.msk [tilespmem:v1+s22+$0x0], $0xffff  }
0xab: {  	[tilespmem:s30+$0x0] =	vst v12;
	v4 =	vld.idx.msk [tilespmem:v16+s22+$0x0], $0xffff  }
0xac: {  	[tilespmem:s30+$0x20] =	vst v13;
	v5 =	vld.idx.msk [tilespmem:v17+s22+$0x0], $0xffff  }
0xad: {  	[tilespmem:s30+$0x40] =	vst v14;
	v6 =	vld.idx.msk [tilespmem:v6+s22+$0x0], $0xffff  }
0xae: {  	s31 =	simm.s32 $0x0;
	s0 =	simm.s32 $0xC0;
	v0 =	vshrl.u32 v8, $0x10;
	v1 =	vshrl.u32 v10, $0x10;
	v7 =	vld.idx.msk [tilespmem:v7+s22+$0x0], $0xffff;
	[tilespmem:s30+$0x70] =	vst v18  }
.LBB2_6:
0xaf: {  	v8 =	vld [tilespmem:s0+$0x30];
	s31 =	sadd.s32 $0x8, s31;
	[tilespmem:s30+$0xFFFFFF80] =	vst v2  }
0xb0: {  	v2 =	vld [tilespmem:s0+$0xFFFFFFD0];
	p0 =	slt.u32 s31, $0x1F8;
	[tilespmem:s30+$0xFFFFFFB0] =	vst v3  }
0xb1: {  	v3 =	vld [tilespmem:s0+$0xFFFFFFE0];
	[tilespmem:s30+$0xFFFFFFD0] =	vst v4  }
0xb2: {  	v4 =	vld [tilespmem:s0+$0xFFFFFFF0];
	[tilespmem:s30+$0xFFFFFFF0] =	vst v5  }
0xb3: {  	v5 =	vld [tilespmem:s0+$0x0];
	[tilespmem:s30+$0x10] =	vst v6  }
0xb4: {  	v6 =	vld [tilespmem:s0+$0x10];
	v9 =	vand.u32 $0xFFFF, v8;
	[tilespmem:s30+$0x30] =	vst v7  }
0xb5: {  	v7 =	vshrl.u32 v2, $0x10;
	v2 =	vand.u32 $0xFFFF, v2;
	v10 =	vld [tilespmem:s0+$0x20]  }
0xb6: {  	v11 =	vld [tilespmem:s0+$0xFFFFFFC0];
	v12 =	vshrl.u32 v3, $0x10;
	v3 =	vand.u32 $0xFFFF, v3  }
0xb7: {  	v13 =	vshrl.u32 v4, $0x10;
	v4 =	vand.u32 $0xFFFF, v4;
	v14 =	vld.idx.msk [tilespmem:v1+s22+$0x0], $0xffff  }
0xb8: {  	v15 =	vshrl.u32 v5, $0x10;
	v5 =	vand.u32 $0xFFFF, v5;
	v16 =	vld.idx.msk [tilespmem:v0+s22+$0x0], $0xffff  }
0xb9: {  	v17 =	vshrl.u32 v6, $0x10;
	v6 =	vand.u32 $0xFFFF, v6;
	v9 =	vld.idx.msk [tilespmem:v9+s22+$0x0], $0xffff  }
0xba: {  	v2 =	vld.idx.msk [tilespmem:v2+s22+$0x0], $0xffff;
	v0 =	vshrl.u32 v10, $0x10;
	v10 =	vand.u32 $0xFFFF, v10  }
0xbb: {  	v8 =	vshrl.u32 v8, $0x10;
	v1 =	vshrl.u32 v11, $0x10;
	v11 =	vand.u32 $0xFFFF, v11;
	v3 =	vld.idx.msk [tilespmem:v3+s22+$0x0], $0xffff  }
0xbc: {  	v4 =	vld.idx.msk [tilespmem:v4+s22+$0x0], $0xffff  }
0xbd: {  	v5 =	vld.idx.msk [tilespmem:v5+s22+$0x0], $0xffff;
	[tilespmem:s30+$0xFFFFFF90] =	vst v14  }
0xbe: {  	v6 =	vld.idx.msk [tilespmem:v6+s22+$0x0], $0xffff;
	[tilespmem:s30+$0x50] =	vst v16;
	s30 =	sadd.s32 $0x100, s30  }
0xbf: {  	v10 =	vld.idx.msk [tilespmem:v10+s22+$0x0], $0xffff;
	[tilespmem:s30+$0x60] =	vst v9  }
0xc0: {  	[tilespmem:s30+$0xFFFFFFA0] =	vst v2;
	v8 =	vld.idx.msk [tilespmem:v8+s22+$0x0], $0xffff  }
0xc1: {  	v2 =	vld.idx.msk [tilespmem:v11+s22+$0x0], $0xffff;
	[tilespmem:s30+$0xFFFFFFC0] =	vst v3  }
.Ltmp2:
0xc2: {  	v3 =	vld.idx.msk [tilespmem:v7+s22+$0x0], $0xffff;
	[tilespmem:s30+$0xFFFFFFE0] =	vst v4;
	(pc) =	sbr.rel @p0 .LBB2_6-.Ltmp2, $4  }
0xc3: {  	v4 =	vld.idx.msk [tilespmem:v12+s22+$0x0], $0xffff;
	[tilespmem:s30+$0x0] =	vst v5  }
0xc4: {  	v5 =	vld.idx.msk [tilespmem:v13+s22+$0x0], $0xffff;
	[tilespmem:s30+$0x20] =	vst v6  }
0xc5: {  	v6 =	vld.idx.msk [tilespmem:v15+s22+$0x0], $0xffff;
	[tilespmem:s30+$0x40] =	vst v10  }
0xc6: {  	s0 =	sadd.s32 $0x80, s0;
	v7 =	vld.idx.msk [tilespmem:v17+s22+$0x0], $0xffff;
	[tilespmem:s30+$0x70] =	vst v8  }
0xc7: {  	_ =	sdelay $0x2  }
0xc8: {  	[tilespmem:s30+$0xFFFFFF80] =	vst v2  }
0xc9: {  	[tilespmem:s30+$0xFFFFFFB0] =	vst v3;
	v0 =	vld.idx.msk [tilespmem:v0+s22+$0x0], $0xffff  }
0xca: {  	v1 =	vld.idx.msk [tilespmem:v1+s22+$0x0], $0xffff;
	[tilespmem:s30+$0xFFFFFFD0] =	vst v4  }
0xcb: {  	[tilespmem:s30+$0xFFFFFFF0] =	vst v5  }
0xcc: {  	[tilespmem:s30+$0x10] =	vst v6  }
0xcd: {  	[tilespmem:s30+$0x30] =	vst v7  }
0xce: {  	[tilespmem:s30+$0x50] =	vst v0  }
0xcf: {  	[tilespmem:s30+$0xFFFFFF90] =	vst v1  }
0xd0: {  	[hbm4b:s9+s17] =	stream.strided.scatter [tilespmem:s23], [sflag:$0x3], $0x4000, s18, s17, $0x38;
	[tilespmem:$0x1C000] =	vst v63  }
0xd1: {  	_ =	swait.ge [sflag:s28], $0x4000  }
0xd2: {  	[sflag:s28] =	ssyncset.done $0x0  }
0xd3: {  	s0 =	simm.s32 $0x2070;
	[sflag:s28] =	ssyncadd.s32 $0xFFFFC000  }
0xd4: {  	v0 =	vld [tilespmem:s0+$0x0]  }
0xd5: {  	v1 =	vld [tilespmem:s0+$0xFFFFFFA0]  }
0xd6: {  	v2 =	vld [tilespmem:s0+$0xFFFFFFB0]  }
0xd7: {  	v3 =	vld [tilespmem:s0+$0xFFFFFFC0]  }
0xd8: {  	v4 =	vld [tilespmem:s0+$0xFFFFFFD0]  }
0xd9: {  	v5 =	vld [tilespmem:s0+$0xFFFFFFE0];
	v6 =	vand.u32 $0xFFFF, v0  }
0xda: {  	v8 =	vld [tilespmem:s0+$0xFFFFFFF0];
	v7 =	vand.u32 $0xFFFF, v1  }
0xdb: {  	v10 =	vld [tilespmem:s0+$0xFFFFFF90];
	v9 =	vand.u32 $0xFFFF, v2  }
0xdc: {  	v11 =	vand.u32 $0xFFFF, v3  }
0xdd: {  	v12 =	vand.u32 $0xFFFF, v4  }
0xde: {  	v13 =	vand.u32 $0xFFFF, v5;
	v6 =	vld.idx.msk [tilespmem:v6+s22+$0x0], $0xffff  }
0xdf: {  	v14 =	vand.u32 $0xFFFF, v8;
	v7 =	vld.idx.msk [tilespmem:v7+s22+$0x0], $0xffff  }
0xe0: {  	v15 =	vand.u32 $0xFFFF, v10;
	v9 =	vld.idx.msk [tilespmem:v9+s22+$0x0], $0xffff  }
0xe1: {  	v0 =	vshrl.u32 v0, $0x10;
	v11 =	vld.idx.msk [tilespmem:v11+s22+$0x0], $0xffff  }
0xe2: {  	v1 =	vshrl.u32 v1, $0x10;
	v12 =	vld.idx.msk [tilespmem:v12+s22+$0x0], $0xffff  }
0xe3: {  	s30 =	simm.s32 $0x18080;
	v16 =	vshrl.u32 v2, $0x10;
	v13 =	vld.idx.msk [tilespmem:v13+s22+$0x0], $0xffff  }
0xe4: {  	v17 =	vshrl.u32 v3, $0x10;
	v14 =	vld.idx.msk [tilespmem:v14+s22+$0x0], $0xffff;
	[tilespmem:s30+$0x60] =	vst v6  }
0xe5: {  	v2 =	vld.idx.msk [tilespmem:v15+s22+$0x0], $0xffff;
	v6 =	vshrl.u32 v4, $0x10;
	[tilespmem:s30+$0xFFFFFFA0] =	vst v7  }
0xe6: {  	v7 =	vshrl.u32 v5, $0x10;
	[tilespmem:s30+$0xFFFFFFC0] =	vst v9;
	v18 =	vld.idx.msk [tilespmem:v0+s22+$0x0], $0xffff  }
0xe7: {  	[tilespmem:s30+$0xFFFFFFE0] =	vst v11;
	v3 =	vld.idx.msk [tilespmem:v1+s22+$0x0], $0xffff  }
0xe8: {  	[tilespmem:s30+$0x0] =	vst v12;
	v4 =	vld.idx.msk [tilespmem:v16+s22+$0x0], $0xffff  }
0xe9: {  	[tilespmem:s30+$0x20] =	vst v13;
	v5 =	vld.idx.msk [tilespmem:v17+s22+$0x0], $0xffff  }
0xea: {  	[tilespmem:s30+$0x40] =	vst v14;
	v6 =	vld.idx.msk [tilespmem:v6+s22+$0x0], $0xffff  }
0xeb: {  	s31 =	simm.s32 $0x0;
	s0 =	simm.s32 $0x20F0;
	v0 =	vshrl.u32 v8, $0x10;
	v1 =	vshrl.u32 v10, $0x10;
	v7 =	vld.idx.msk [tilespmem:v7+s22+$0x0], $0xffff;
	[tilespmem:s30+$0x70] =	vst v18  }
.LBB2_8:
0xec: {  	v8 =	vld [tilespmem:s0+$0x0];
	s31 =	sadd.s32 $0x8, s31;
	[tilespmem:s30+$0xFFFFFF80] =	vst v2  }
0xed: {  	v2 =	vld [tilespmem:s0+$0xFFFFFFA0];
	p0 =	slt.u32 s31, $0x1F8;
	[tilespmem:s30+$0xFFFFFFB0] =	vst v3  }
0xee: {  	v3 =	vld [tilespmem:s0+$0xFFFFFFB0];
	[tilespmem:s30+$0xFFFFFFD0] =	vst v4  }
0xef: {  	v4 =	vld [tilespmem:s0+$0xFFFFFFC0];
	[tilespmem:s30+$0xFFFFFFF0] =	vst v5  }
0xf0: {  	v5 =	vld [tilespmem:s0+$0xFFFFFFD0];
	[tilespmem:s30+$0x10] =	vst v6  }
0xf1: {  	v6 =	vld [tilespmem:s0+$0xFFFFFFE0];
	v9 =	vand.u32 $0xFFFF, v8;
	[tilespmem:s30+$0x30] =	vst v7  }
0xf2: {  	v7 =	vshrl.u32 v2, $0x10;
	v2 =	vand.u32 $0xFFFF, v2;
	v10 =	vld [tilespmem:s0+$0xFFFFFFF0]  }
0xf3: {  	v11 =	vld [tilespmem:s0+$0xFFFFFF90];
	v12 =	vshrl.u32 v3, $0x10;
	v3 =	vand.u32 $0xFFFF, v3  }
0xf4: {  	v13 =	vshrl.u32 v4, $0x10;
	v4 =	vand.u32 $0xFFFF, v4;
	v14 =	vld.idx.msk [tilespmem:v1+s22+$0x0], $0xffff  }
0xf5: {  	v15 =	vshrl.u32 v5, $0x10;
	v5 =	vand.u32 $0xFFFF, v5;
	v16 =	vld.idx.msk [tilespmem:v0+s22+$0x0], $0xffff  }
0xf6: {  	v17 =	vshrl.u32 v6, $0x10;
	v6 =	vand.u32 $0xFFFF, v6;
	v9 =	vld.idx.msk [tilespmem:v9+s22+$0x0], $0xffff  }
0xf7: {  	v2 =	vld.idx.msk [tilespmem:v2+s22+$0x0], $0xffff;
	v0 =	vshrl.u32 v10, $0x10;
	v10 =	vand.u32 $0xFFFF, v10  }
0xf8: {  	v8 =	vshrl.u32 v8, $0x10;
	v1 =	vshrl.u32 v11, $0x10;
	v11 =	vand.u32 $0xFFFF, v11;
	v3 =	vld.idx.msk [tilespmem:v3+s22+$0x0], $0xffff  }
0xf9: {  	v4 =	vld.idx.msk [tilespmem:v4+s22+$0x0], $0xffff  }
0xfa: {  	v5 =	vld.idx.msk [tilespmem:v5+s22+$0x0], $0xffff;
	[tilespmem:s30+$0xFFFFFF90] =	vst v14  }
0xfb: {  	v6 =	vld.idx.msk [tilespmem:v6+s22+$0x0], $0xffff;
	[tilespmem:s30+$0x50] =	vst v16;
	s30 =	sadd.s32 $0x100, s30  }
0xfc: {  	v10 =	vld.idx.msk [tilespmem:v10+s22+$0x0], $0xffff;
	[tilespmem:s30+$0x60] =	vst v9  }
0xfd: {  	[tilespmem:s30+$0xFFFFFFA0] =	vst v2;
	v8 =	vld.idx.msk [tilespmem:v8+s22+$0x0], $0xffff  }
0xfe: {  	v2 =	vld.idx.msk [tilespmem:v11+s22+$0x0], $0xffff;
	[tilespmem:s30+$0xFFFFFFC0] =	vst v3  }
.Ltmp3:
0xff: {  	v3 =	vld.idx.msk [tilespmem:v7+s22+$0x0], $0xffff;
	[tilespmem:s30+$0xFFFFFFE0] =	vst v4;
	(pc) =	sbr.rel @p0 .LBB2_8-.Ltmp3, $4  }
0x100: {  	v4 =	vld.idx.msk [tilespmem:v12+s22+$0x0], $0xffff;
	[tilespmem:s30+$0x0] =	vst v5  }
0x101: {  	v5 =	vld.idx.msk [tilespmem:v13+s22+$0x0], $0xffff;
	[tilespmem:s30+$0x20] =	vst v6  }
0x102: {  	v6 =	vld.idx.msk [tilespmem:v15+s22+$0x0], $0xffff;
	[tilespmem:s30+$0x40] =	vst v10  }
0x103: {  	s0 =	sadd.s32 $0x80, s0;
	v7 =	vld.idx.msk [tilespmem:v17+s22+$0x0], $0xffff;
	[tilespmem:s30+$0x70] =	vst v8  }
0x104: {  	_ =	sdelay $0x2  }
0x105: {  	[tilespmem:s30+$0xFFFFFF80] =	vst v2  }
0x106: {  	[tilespmem:s30+$0xFFFFFFB0] =	vst v3;
	v0 =	vld.idx.msk [tilespmem:v0+s22+$0x0], $0xffff  }
0x107: {  	v1 =	vld.idx.msk [tilespmem:v1+s22+$0x0], $0xffff;
	[tilespmem:s30+$0xFFFFFFD0] =	vst v4  }
0x108: {  	[tilespmem:s30+$0xFFFFFFF0] =	vst v5  }
0x109: {  	[tilespmem:s30+$0x10] =	vst v6  }
0x10a: {  	[tilespmem:s30+$0x30] =	vst v7  }
0x10b: {  	[tilespmem:s30+$0x50] =	vst v0  }
0x10c: {  	[tilespmem:s30+$0xFFFFFF90] =	vst v1  }
0x10d: {  	[hbm4b:s10+s17] =	stream.strided.scatter [tilespmem:s24], [sflag:$0x4], $0x4000, s18, s17, $0x38;
	[tilespmem:$0x1C000] =	vst v63  }
0x10e: {  	_ =	swait.ge [sflag:s21], $0x8000  }
0x10f: {  	[sflag:s21] =	ssyncset.done $0x0  }
0x110: {  	[sflag:s21] =	ssyncadd.s32 $0xFFFF8000  }
0x111: {  	[tilespmem:s22], [sflag:$0x2] =	stream.strided.gather [hbm4b:s11+s17], $0x8000, s18, s17, $0x38;
	[tilespmem:$0x1C000] =	vst v63  }
0x112: {  	_ =	swait.ge [sflag:s26], $0x4000  }
0x113: {  	[sflag:s26] =	ssyncset.done $0x0  }
0x114: {  	s0 =	simm.s32 $0x40;
	[sflag:s26] =	ssyncadd.s32 $0xFFFFC000  }
0x115: {  	v0 =	vld [tilespmem:s0+$0x30]  }
0x116: {  	v1 =	vld [tilespmem:s0+$0xFFFFFFD0]  }
0x117: {  	v2 =	vld [tilespmem:s0+$0xFFFFFFE0]  }
0x118: {  	v3 =	vld [tilespmem:s0+$0xFFFFFFF0]  }
0x119: {  	v4 =	vld [tilespmem:s0+$0x0]  }
0x11a: {  	v5 =	vld [tilespmem:s0+$0x10];
	v6 =	vand.u32 $0xFFFF, v0  }
0x11b: {  	v8 =	vld [tilespmem:s0+$0x20];
	v7 =	vand.u32 $0xFFFF, v1  }
0x11c: {  	v10 =	vld [tilespmem:s0+$0xFFFFFFC0];
	v9 =	vand.u32 $0xFFFF, v2  }
0x11d: {  	v11 =	vand.u32 $0xFFFF, v3  }
0x11e: {  	v12 =	vand.u32 $0xFFFF, v4  }
0x11f: {  	v13 =	vand.u32 $0xFFFF, v5;
	v6 =	vld.idx.msk [tilespmem:v6+s19+$0x0], $0xffff  }
0x120: {  	v14 =	vand.u32 $0xFFFF, v8;
	v7 =	vld.idx.msk [tilespmem:v7+s19+$0x0], $0xffff  }
0x121: {  	v15 =	vand.u32 $0xFFFF, v10;
	v9 =	vld.idx.msk [tilespmem:v9+s19+$0x0], $0xffff  }
0x122: {  	v0 =	vshrl.u32 v0, $0x10;
	v11 =	vld.idx.msk [tilespmem:v11+s19+$0x0], $0xffff  }
0x123: {  	v1 =	vshrl.u32 v1, $0x10;
	v12 =	vld.idx.msk [tilespmem:v12+s19+$0x0], $0xffff  }
0x124: {  	s30 =	simm.s32 $0x14080;
	v16 =	vshrl.u32 v2, $0x10;
	v13 =	vld.idx.msk [tilespmem:v13+s19+$0x0], $0xffff  }
0x125: {  	v17 =	vshrl.u32 v3, $0x10;
	v14 =	vld.idx.msk [tilespmem:v14+s19+$0x0], $0xffff;
	[tilespmem:s30+$0x60] =	vst v6  }
0x126: {  	v2 =	vld.idx.msk [tilespmem:v15+s19+$0x0], $0xffff;
	v6 =	vshrl.u32 v4, $0x10;
	[tilespmem:s30+$0xFFFFFFA0] =	vst v7  }
0x127: {  	v7 =	vshrl.u32 v5, $0x10;
	[tilespmem:s30+$0xFFFFFFC0] =	vst v9;
	v18 =	vld.idx.msk [tilespmem:v0+s19+$0x0], $0xffff  }
0x128: {  	[tilespmem:s30+$0xFFFFFFE0] =	vst v11;
	v3 =	vld.idx.msk [tilespmem:v1+s19+$0x0], $0xffff  }
0x129: {  	[tilespmem:s30+$0x0] =	vst v12;
	v4 =	vld.idx.msk [tilespmem:v16+s19+$0x0], $0xffff  }
0x12a: {  	[tilespmem:s30+$0x20] =	vst v13;
	v5 =	vld.idx.msk [tilespmem:v17+s19+$0x0], $0xffff  }
0x12b: {  	[tilespmem:s30+$0x40] =	vst v14;
	v6 =	vld.idx.msk [tilespmem:v6+s19+$0x0], $0xffff  }
0x12c: {  	s31 =	simm.s32 $0x0;
	s0 =	simm.s32 $0xC0;
	v0 =	vshrl.u32 v8, $0x10;
	v1 =	vshrl.u32 v10, $0x10;
	v7 =	vld.idx.msk [tilespmem:v7+s19+$0x0], $0xffff;
	[tilespmem:s30+$0x70] =	vst v18  }
.LBB2_10:
0x12d: {  	v8 =	vld [tilespmem:s0+$0x30];
	s31 =	sadd.s32 $0x8, s31;
	[tilespmem:s30+$0xFFFFFF80] =	vst v2  }
0x12e: {  	v2 =	vld [tilespmem:s0+$0xFFFFFFD0];
	p0 =	slt.u32 s31, $0x1F8;
	[tilespmem:s30+$0xFFFFFFB0] =	vst v3  }
0x12f: {  	v3 =	vld [tilespmem:s0+$0xFFFFFFE0];
	[tilespmem:s30+$0xFFFFFFD0] =	vst v4  }
0x130: {  	v4 =	vld [tilespmem:s0+$0xFFFFFFF0];
	[tilespmem:s30+$0xFFFFFFF0] =	vst v5  }
0x131: {  	v5 =	vld [tilespmem:s0+$0x0];
	[tilespmem:s30+$0x10] =	vst v6  }
0x132: {  	v6 =	vld [tilespmem:s0+$0x10];
	v9 =	vand.u32 $0xFFFF, v8;
	[tilespmem:s30+$0x30] =	vst v7  }
0x133: {  	v7 =	vshrl.u32 v2, $0x10;
	v2 =	vand.u32 $0xFFFF, v2;
	v10 =	vld [tilespmem:s0+$0x20]  }
0x134: {  	v11 =	vld [tilespmem:s0+$0xFFFFFFC0];
	v12 =	vshrl.u32 v3, $0x10;
	v3 =	vand.u32 $0xFFFF, v3  }
0x135: {  	v13 =	vshrl.u32 v4, $0x10;
	v4 =	vand.u32 $0xFFFF, v4;
	v14 =	vld.idx.msk [tilespmem:v1+s19+$0x0], $0xffff  }
0x136: {  	v15 =	vshrl.u32 v5, $0x10;
	v5 =	vand.u32 $0xFFFF, v5;
	v16 =	vld.idx.msk [tilespmem:v0+s19+$0x0], $0xffff  }
0x137: {  	v17 =	vshrl.u32 v6, $0x10;
	v6 =	vand.u32 $0xFFFF, v6;
	v9 =	vld.idx.msk [tilespmem:v9+s19+$0x0], $0xffff  }
0x138: {  	v2 =	vld.idx.msk [tilespmem:v2+s19+$0x0], $0xffff;
	v0 =	vshrl.u32 v10, $0x10;
	v10 =	vand.u32 $0xFFFF, v10  }
0x139: {  	v8 =	vshrl.u32 v8, $0x10;
	v1 =	vshrl.u32 v11, $0x10;
	v11 =	vand.u32 $0xFFFF, v11;
	v3 =	vld.idx.msk [tilespmem:v3+s19+$0x0], $0xffff  }
0x13a: {  	v4 =	vld.idx.msk [tilespmem:v4+s19+$0x0], $0xffff  }
0x13b: {  	v5 =	vld.idx.msk [tilespmem:v5+s19+$0x0], $0xffff;
	[tilespmem:s30+$0xFFFFFF90] =	vst v14  }
0x13c: {  	v6 =	vld.idx.msk [tilespmem:v6+s19+$0x0], $0xffff;
	[tilespmem:s30+$0x50] =	vst v16;
	s30 =	sadd.s32 $0x100, s30  }
0x13d: {  	v10 =	vld.idx.msk [tilespmem:v10+s19+$0x0], $0xffff;
	[tilespmem:s30+$0x60] =	vst v9  }
0x13e: {  	[tilespmem:s30+$0xFFFFFFA0] =	vst v2;
	v8 =	vld.idx.msk [tilespmem:v8+s19+$0x0], $0xffff  }
0x13f: {  	v2 =	vld.idx.msk [tilespmem:v11+s19+$0x0], $0xffff;
	[tilespmem:s30+$0xFFFFFFC0] =	vst v3  }
.Ltmp4:
0x140: {  	v3 =	vld.idx.msk [tilespmem:v7+s19+$0x0], $0xffff;
	[tilespmem:s30+$0xFFFFFFE0] =	vst v4;
	(pc) =	sbr.rel @p0 .LBB2_10-.Ltmp4, $4  }
0x141: {  	v4 =	vld.idx.msk [tilespmem:v12+s19+$0x0], $0xffff;
	[tilespmem:s30+$0x0] =	vst v5  }
0x142: {  	v5 =	vld.idx.msk [tilespmem:v13+s19+$0x0], $0xffff;
	[tilespmem:s30+$0x20] =	vst v6  }
0x143: {  	v6 =	vld.idx.msk [tilespmem:v15+s19+$0x0], $0xffff;
	[tilespmem:s30+$0x40] =	vst v10  }
0x144: {  	s0 =	sadd.s32 $0x80, s0;
	v7 =	vld.idx.msk [tilespmem:v17+s19+$0x0], $0xffff;
	[tilespmem:s30+$0x70] =	vst v8  }
0x145: {  	_ =	sdelay $0x2  }
0x146: {  	[tilespmem:s30+$0xFFFFFF80] =	vst v2  }
0x147: {  	[tilespmem:s30+$0xFFFFFFB0] =	vst v3;
	v0 =	vld.idx.msk [tilespmem:v0+s19+$0x0], $0xffff  }
0x148: {  	v1 =	vld.idx.msk [tilespmem:v1+s19+$0x0], $0xffff;
	[tilespmem:s30+$0xFFFFFFD0] =	vst v4  }
0x149: {  	[tilespmem:s30+$0xFFFFFFF0] =	vst v5  }
0x14a: {  	[tilespmem:s30+$0x10] =	vst v6  }
0x14b: {  	[tilespmem:s30+$0x30] =	vst v7  }
0x14c: {  	[tilespmem:s30+$0x50] =	vst v0  }
0x14d: {  	[tilespmem:s30+$0xFFFFFF90] =	vst v1  }
0x14e: {  	[hbm4b:s12+s17] =	stream.strided.scatter [tilespmem:s23], [sflag:$0x3], $0x4000, s18, s17, $0x38;
	[tilespmem:$0x1C000] =	vst v63  }
0x14f: {  	_ =	swait.ge [sflag:s28], $0x4000  }
0x150: {  	[sflag:s28] =	ssyncset.done $0x0  }
0x151: {  	s0 =	simm.s32 $0x2070;
	[sflag:s28] =	ssyncadd.s32 $0xFFFFC000  }
0x152: {  	v0 =	vld [tilespmem:s0+$0x0]  }
0x153: {  	v1 =	vld [tilespmem:s0+$0xFFFFFFA0]  }
0x154: {  	v2 =	vld [tilespmem:s0+$0xFFFFFFB0]  }
0x155: {  	v3 =	vld [tilespmem:s0+$0xFFFFFFC0]  }
0x156: {  	v4 =	vld [tilespmem:s0+$0xFFFFFFD0]  }
0x157: {  	v5 =	vld [tilespmem:s0+$0xFFFFFFE0];
	v6 =	vand.u32 $0xFFFF, v0  }
0x158: {  	v8 =	vld [tilespmem:s0+$0xFFFFFFF0];
	v7 =	vand.u32 $0xFFFF, v1  }
0x159: {  	v10 =	vld [tilespmem:s0+$0xFFFFFF90];
	v9 =	vand.u32 $0xFFFF, v2  }
0x15a: {  	v11 =	vand.u32 $0xFFFF, v3  }
0x15b: {  	v12 =	vand.u32 $0xFFFF, v4  }
0x15c: {  	v13 =	vand.u32 $0xFFFF, v5;
	v6 =	vld.idx.msk [tilespmem:v6+s19+$0x0], $0xffff  }
0x15d: {  	v14 =	vand.u32 $0xFFFF, v8;
	v7 =	vld.idx.msk [tilespmem:v7+s19+$0x0], $0xffff  }
0x15e: {  	v15 =	vand.u32 $0xFFFF, v10;
	v9 =	vld.idx.msk [tilespmem:v9+s19+$0x0], $0xffff  }
0x15f: {  	v0 =	vshrl.u32 v0, $0x10;
	v11 =	vld.idx.msk [tilespmem:v11+s19+$0x0], $0xffff  }
0x160: {  	v1 =	vshrl.u32 v1, $0x10;
	v12 =	vld.idx.msk [tilespmem:v12+s19+$0x0], $0xffff  }
0x161: {  	s30 =	simm.s32 $0x18080;
	v16 =	vshrl.u32 v2, $0x10;
	v13 =	vld.idx.msk [tilespmem:v13+s19+$0x0], $0xffff  }
0x162: {  	v17 =	vshrl.u32 v3, $0x10;
	v14 =	vld.idx.msk [tilespmem:v14+s19+$0x0], $0xffff;
	[tilespmem:s30+$0x60] =	vst v6  }
0x163: {  	v2 =	vld.idx.msk [tilespmem:v15+s19+$0x0], $0xffff;
	v6 =	vshrl.u32 v4, $0x10;
	[tilespmem:s30+$0xFFFFFFA0] =	vst v7  }
0x164: {  	v7 =	vshrl.u32 v5, $0x10;
	[tilespmem:s30+$0xFFFFFFC0] =	vst v9;
	v18 =	vld.idx.msk [tilespmem:v0+s19+$0x0], $0xffff  }
0x165: {  	[tilespmem:s30+$0xFFFFFFE0] =	vst v11;
	v3 =	vld.idx.msk [tilespmem:v1+s19+$0x0], $0xffff  }
0x166: {  	[tilespmem:s30+$0x0] =	vst v12;
	v4 =	vld.idx.msk [tilespmem:v16+s19+$0x0], $0xffff  }
0x167: {  	[tilespmem:s30+$0x20] =	vst v13;
	v5 =	vld.idx.msk [tilespmem:v17+s19+$0x0], $0xffff  }
0x168: {  	[tilespmem:s30+$0x40] =	vst v14;
	v6 =	vld.idx.msk [tilespmem:v6+s19+$0x0], $0xffff  }
0x169: {  	s31 =	simm.s32 $0x0;
	s0 =	simm.s32 $0x20F0;
	v0 =	vshrl.u32 v8, $0x10;
	v1 =	vshrl.u32 v10, $0x10;
	v7 =	vld.idx.msk [tilespmem:v7+s19+$0x0], $0xffff;
	[tilespmem:s30+$0x70] =	vst v18  }
.LBB2_12:
0x16a: {  	v8 =	vld [tilespmem:s0+$0x0];
	s31 =	sadd.s32 $0x8, s31;
	[tilespmem:s30+$0xFFFFFF80] =	vst v2  }
0x16b: {  	v2 =	vld [tilespmem:s0+$0xFFFFFFA0];
	p0 =	slt.u32 s31, $0x1F8;
	[tilespmem:s30+$0xFFFFFFB0] =	vst v3  }
0x16c: {  	v3 =	vld [tilespmem:s0+$0xFFFFFFB0];
	[tilespmem:s30+$0xFFFFFFD0] =	vst v4  }
0x16d: {  	v4 =	vld [tilespmem:s0+$0xFFFFFFC0];
	[tilespmem:s30+$0xFFFFFFF0] =	vst v5  }
0x16e: {  	v5 =	vld [tilespmem:s0+$0xFFFFFFD0];
	[tilespmem:s30+$0x10] =	vst v6  }
0x16f: {  	v6 =	vld [tilespmem:s0+$0xFFFFFFE0];
	v9 =	vand.u32 $0xFFFF, v8;
	[tilespmem:s30+$0x30] =	vst v7  }
0x170: {  	v7 =	vshrl.u32 v2, $0x10;
	v2 =	vand.u32 $0xFFFF, v2;
	v10 =	vld [tilespmem:s0+$0xFFFFFFF0]  }
0x171: {  	v11 =	vld [tilespmem:s0+$0xFFFFFF90];
	v12 =	vshrl.u32 v3, $0x10;
	v3 =	vand.u32 $0xFFFF, v3  }
0x172: {  	v13 =	vshrl.u32 v4, $0x10;
	v4 =	vand.u32 $0xFFFF, v4;
	v14 =	vld.idx.msk [tilespmem:v1+s19+$0x0], $0xffff  }
0x173: {  	v15 =	vshrl.u32 v5, $0x10;
	v5 =	vand.u32 $0xFFFF, v5;
	v16 =	vld.idx.msk [tilespmem:v0+s19+$0x0], $0xffff  }
0x174: {  	v17 =	vshrl.u32 v6, $0x10;
	v6 =	vand.u32 $0xFFFF, v6;
	v9 =	vld.idx.msk [tilespmem:v9+s19+$0x0], $0xffff  }
0x175: {  	v2 =	vld.idx.msk [tilespmem:v2+s19+$0x0], $0xffff;
	v0 =	vshrl.u32 v10, $0x10;
	v10 =	vand.u32 $0xFFFF, v10  }
0x176: {  	v8 =	vshrl.u32 v8, $0x10;
	v1 =	vshrl.u32 v11, $0x10;
	v11 =	vand.u32 $0xFFFF, v11;
	v3 =	vld.idx.msk [tilespmem:v3+s19+$0x0], $0xffff  }
0x177: {  	v4 =	vld.idx.msk [tilespmem:v4+s19+$0x0], $0xffff  }
0x178: {  	v5 =	vld.idx.msk [tilespmem:v5+s19+$0x0], $0xffff;
	[tilespmem:s30+$0xFFFFFF90] =	vst v14  }
0x179: {  	v6 =	vld.idx.msk [tilespmem:v6+s19+$0x0], $0xffff;
	[tilespmem:s30+$0x50] =	vst v16;
	s30 =	sadd.s32 $0x100, s30  }
0x17a: {  	v10 =	vld.idx.msk [tilespmem:v10+s19+$0x0], $0xffff;
	[tilespmem:s30+$0x60] =	vst v9  }
0x17b: {  	[tilespmem:s30+$0xFFFFFFA0] =	vst v2;
	v8 =	vld.idx.msk [tilespmem:v8+s19+$0x0], $0xffff  }
0x17c: {  	v2 =	vld.idx.msk [tilespmem:v11+s19+$0x0], $0xffff;
	[tilespmem:s30+$0xFFFFFFC0] =	vst v3  }
.Ltmp5:
0x17d: {  	v3 =	vld.idx.msk [tilespmem:v7+s19+$0x0], $0xffff;
	[tilespmem:s30+$0xFFFFFFE0] =	vst v4;
	(pc) =	sbr.rel @p0 .LBB2_12-.Ltmp5, $4  }
0x17e: {  	v4 =	vld.idx.msk [tilespmem:v12+s19+$0x0], $0xffff;
	[tilespmem:s30+$0x0] =	vst v5  }
0x17f: {  	v5 =	vld.idx.msk [tilespmem:v13+s19+$0x0], $0xffff;
	[tilespmem:s30+$0x20] =	vst v6  }
0x180: {  	v6 =	vld.idx.msk [tilespmem:v15+s19+$0x0], $0xffff;
	[tilespmem:s30+$0x40] =	vst v10  }
0x181: {  	s0 =	sadd.s32 $0x80, s0;
	v7 =	vld.idx.msk [tilespmem:v17+s19+$0x0], $0xffff;
	[tilespmem:s30+$0x70] =	vst v8  }
0x182: {  	_ =	sdelay $0x2  }
0x183: {  	[tilespmem:s30+$0xFFFFFF80] =	vst v2  }
0x184: {  	[tilespmem:s30+$0xFFFFFFB0] =	vst v3;
	v0 =	vld.idx.msk [tilespmem:v0+s19+$0x0], $0xffff  }
0x185: {  	v1 =	vld.idx.msk [tilespmem:v1+s19+$0x0], $0xffff;
	[tilespmem:s30+$0xFFFFFFD0] =	vst v4  }
0x186: {  	[tilespmem:s30+$0xFFFFFFF0] =	vst v5  }
0x187: {  	[tilespmem:s30+$0x10] =	vst v6  }
0x188: {  	[tilespmem:s30+$0x30] =	vst v7  }
0x189: {  	[tilespmem:s30+$0x50] =	vst v0  }
0x18a: {  	[tilespmem:s30+$0xFFFFFF90] =	vst v1  }
0x18b: {  	[hbm4b:s13+s17] =	stream.strided.scatter [tilespmem:s24], [sflag:$0x4], $0x4000, s18, s17, $0x38;
	[tilespmem:$0x1C000] =	vst v63  }
0x18c: {  	_ =	swait.ge [sflag:s25], $0x8000  }
0x18d: {  	[sflag:s25] =	ssyncset.done $0x0  }
0x18e: {  	[sflag:s25] =	ssyncadd.s32 $0xFFFF8000  }
0x18f: {  	_ =	swait.ge [sflag:s26], $0x4000  }
0x190: {  	[sflag:s26] =	ssyncset.done $0x0  }
0x191: {  	s0 =	simm.s32 $0x40;
	[sflag:s26] =	ssyncadd.s32 $0xFFFFC000  }
0x192: {  	v0 =	vld [tilespmem:s0+$0x30]  }
0x193: {  	v1 =	vld [tilespmem:s0+$0xFFFFFFD0]  }
0x194: {  	v2 =	vld [tilespmem:s0+$0xFFFFFFE0]  }
0x195: {  	v3 =	vld [tilespmem:s0+$0xFFFFFFF0]  }
0x196: {  	v4 =	vld [tilespmem:s0+$0x0]  }
0x197: {  	v5 =	vld [tilespmem:s0+$0x10];
	v6 =	vand.u32 $0xFFFF, v0  }
0x198: {  	v8 =	vld [tilespmem:s0+$0x20];
	v7 =	vand.u32 $0xFFFF, v1  }
0x199: {  	v10 =	vld [tilespmem:s0+$0xFFFFFFC0];
	v9 =	vand.u32 $0xFFFF, v2  }
0x19a: {  	v11 =	vand.u32 $0xFFFF, v3  }
0x19b: {  	v12 =	vand.u32 $0xFFFF, v4  }
0x19c: {  	v13 =	vand.u32 $0xFFFF, v5;
	v6 =	vld.idx.msk [tilespmem:v6+s22+$0x0], $0xffff  }
0x19d: {  	v14 =	vand.u32 $0xFFFF, v8;
	v7 =	vld.idx.msk [tilespmem:v7+s22+$0x0], $0xffff  }
0x19e: {  	v15 =	vand.u32 $0xFFFF, v10;
	v9 =	vld.idx.msk [tilespmem:v9+s22+$0x0], $0xffff  }
0x19f: {  	v0 =	vshrl.u32 v0, $0x10;
	v11 =	vld.idx.msk [tilespmem:v11+s22+$0x0], $0xffff  }
0x1a0: {  	v1 =	vshrl.u32 v1, $0x10;
	v12 =	vld.idx.msk [tilespmem:v12+s22+$0x0], $0xffff  }
0x1a1: {  	s30 =	simm.s32 $0x14080;
	v16 =	vshrl.u32 v2, $0x10;
	v13 =	vld.idx.msk [tilespmem:v13+s22+$0x0], $0xffff  }
0x1a2: {  	v17 =	vshrl.u32 v3, $0x10;
	v14 =	vld.idx.msk [tilespmem:v14+s22+$0x0], $0xffff;
	[tilespmem:s30+$0x60] =	vst v6  }
0x1a3: {  	v2 =	vld.idx.msk [tilespmem:v15+s22+$0x0], $0xffff;
	v6 =	vshrl.u32 v4, $0x10;
	[tilespmem:s30+$0xFFFFFFA0] =	vst v7  }
0x1a4: {  	v7 =	vshrl.u32 v5, $0x10;
	[tilespmem:s30+$0xFFFFFFC0] =	vst v9;
	v18 =	vld.idx.msk [tilespmem:v0+s22+$0x0], $0xffff  }
0x1a5: {  	[tilespmem:s30+$0xFFFFFFE0] =	vst v11;
	v3 =	vld.idx.msk [tilespmem:v1+s22+$0x0], $0xffff  }
0x1a6: {  	[tilespmem:s30+$0x0] =	vst v12;
	v4 =	vld.idx.msk [tilespmem:v16+s22+$0x0], $0xffff  }
0x1a7: {  	[tilespmem:s30+$0x20] =	vst v13;
	v5 =	vld.idx.msk [tilespmem:v17+s22+$0x0], $0xffff  }
0x1a8: {  	[tilespmem:s30+$0x40] =	vst v14;
	v6 =	vld.idx.msk [tilespmem:v6+s22+$0x0], $0xffff  }
0x1a9: {  	s31 =	simm.s32 $0x0;
	s0 =	simm.s32 $0xC0;
	v0 =	vshrl.u32 v8, $0x10;
	v1 =	vshrl.u32 v10, $0x10;
	v7 =	vld.idx.msk [tilespmem:v7+s22+$0x0], $0xffff;
	[tilespmem:s30+$0x70] =	vst v18  }
.LBB2_14:
0x1aa: {  	v8 =	vld [tilespmem:s0+$0x30];
	s31 =	sadd.s32 $0x8, s31;
	[tilespmem:s30+$0xFFFFFF80] =	vst v2  }
0x1ab: {  	v2 =	vld [tilespmem:s0+$0xFFFFFFD0];
	p0 =	slt.u32 s31, $0x1F8;
	[tilespmem:s30+$0xFFFFFFB0] =	vst v3  }
0x1ac: {  	v3 =	vld [tilespmem:s0+$0xFFFFFFE0];
	[tilespmem:s30+$0xFFFFFFD0] =	vst v4  }
0x1ad: {  	v4 =	vld [tilespmem:s0+$0xFFFFFFF0];
	[tilespmem:s30+$0xFFFFFFF0] =	vst v5  }
0x1ae: {  	v5 =	vld [tilespmem:s0+$0x0];
	[tilespmem:s30+$0x10] =	vst v6  }
0x1af: {  	v6 =	vld [tilespmem:s0+$0x10];
	v9 =	vand.u32 $0xFFFF, v8;
	[tilespmem:s30+$0x30] =	vst v7  }
0x1b0: {  	v7 =	vshrl.u32 v2, $0x10;
	v2 =	vand.u32 $0xFFFF, v2;
	v10 =	vld [tilespmem:s0+$0x20]  }
0x1b1: {  	v11 =	vld [tilespmem:s0+$0xFFFFFFC0];
	v12 =	vshrl.u32 v3, $0x10;
	v3 =	vand.u32 $0xFFFF, v3  }
0x1b2: {  	v13 =	vshrl.u32 v4, $0x10;
	v4 =	vand.u32 $0xFFFF, v4;
	v14 =	vld.idx.msk [tilespmem:v1+s22+$0x0], $0xffff  }
0x1b3: {  	v15 =	vshrl.u32 v5, $0x10;
	v5 =	vand.u32 $0xFFFF, v5;
	v16 =	vld.idx.msk [tilespmem:v0+s22+$0x0], $0xffff  }
0x1b4: {  	v17 =	vshrl.u32 v6, $0x10;
	v6 =	vand.u32 $0xFFFF, v6;
	v9 =	vld.idx.msk [tilespmem:v9+s22+$0x0], $0xffff  }
0x1b5: {  	v2 =	vld.idx.msk [tilespmem:v2+s22+$0x0], $0xffff;
	v0 =	vshrl.u32 v10, $0x10;
	v10 =	vand.u32 $0xFFFF, v10  }
0x1b6: {  	v8 =	vshrl.u32 v8, $0x10;
	v1 =	vshrl.u32 v11, $0x10;
	v11 =	vand.u32 $0xFFFF, v11;
	v3 =	vld.idx.msk [tilespmem:v3+s22+$0x0], $0xffff  }
0x1b7: {  	v4 =	vld.idx.msk [tilespmem:v4+s22+$0x0], $0xffff  }
0x1b8: {  	v5 =	vld.idx.msk [tilespmem:v5+s22+$0x0], $0xffff;
	[tilespmem:s30+$0xFFFFFF90] =	vst v14  }
0x1b9: {  	v6 =	vld.idx.msk [tilespmem:v6+s22+$0x0], $0xffff;
	[tilespmem:s30+$0x50] =	vst v16;
	s30 =	sadd.s32 $0x100, s30  }
0x1ba: {  	v10 =	vld.idx.msk [tilespmem:v10+s22+$0x0], $0xffff;
	[tilespmem:s30+$0x60] =	vst v9  }
0x1bb: {  	[tilespmem:s30+$0xFFFFFFA0] =	vst v2;
	v8 =	vld.idx.msk [tilespmem:v8+s22+$0x0], $0xffff  }
0x1bc: {  	v2 =	vld.idx.msk [tilespmem:v11+s22+$0x0], $0xffff;
	[tilespmem:s30+$0xFFFFFFC0] =	vst v3  }
.Ltmp6:
0x1bd: {  	v3 =	vld.idx.msk [tilespmem:v7+s22+$0x0], $0xffff;
	[tilespmem:s30+$0xFFFFFFE0] =	vst v4;
	(pc) =	sbr.rel @p0 .LBB2_14-.Ltmp6, $4  }
0x1be: {  	v4 =	vld.idx.msk [tilespmem:v12+s22+$0x0], $0xffff;
	[tilespmem:s30+$0x0] =	vst v5  }
0x1bf: {  	v5 =	vld.idx.msk [tilespmem:v13+s22+$0x0], $0xffff;
	[tilespmem:s30+$0x20] =	vst v6  }
0x1c0: {  	v6 =	vld.idx.msk [tilespmem:v15+s22+$0x0], $0xffff;
	[tilespmem:s30+$0x40] =	vst v10  }
0x1c1: {  	s0 =	sadd.s32 $0x80, s0;
	v7 =	vld.idx.msk [tilespmem:v17+s22+$0x0], $0xffff;
	[tilespmem:s30+$0x70] =	vst v8  }
0x1c2: {  	_ =	sdelay $0x2  }
0x1c3: {  	[tilespmem:s30+$0xFFFFFF80] =	vst v2  }
0x1c4: {  	[tilespmem:s30+$0xFFFFFFB0] =	vst v3;
	v0 =	vld.idx.msk [tilespmem:v0+s22+$0x0], $0xffff  }
0x1c5: {  	v1 =	vld.idx.msk [tilespmem:v1+s22+$0x0], $0xffff;
	[tilespmem:s30+$0xFFFFFFD0] =	vst v4  }
0x1c6: {  	[tilespmem:s30+$0xFFFFFFF0] =	vst v5  }
0x1c7: {  	[tilespmem:s30+$0x10] =	vst v6  }
0x1c8: {  	[tilespmem:s30+$0x30] =	vst v7  }
0x1c9: {  	[tilespmem:s30+$0x50] =	vst v0  }
0x1ca: {  	[tilespmem:s30+$0xFFFFFF90] =	vst v1  }
0x1cb: {  	[hbm4b:s14+s17] =	stream.strided.scatter [tilespmem:s23], [sflag:$0x3], $0x4000, s18, s17, $0x38;
	[tilespmem:$0x1C000] =	vst v63  }
0x1cc: {  	_ =	swait.ge [sflag:s28], $0x4000  }
0x1cd: {  	[sflag:s28] =	ssyncset.done $0x0  }
0x1ce: {  	s0 =	simm.s32 $0x2070;
	[sflag:s28] =	ssyncadd.s32 $0xFFFFC000  }
0x1cf: {  	v0 =	vld [tilespmem:s0+$0x0]  }
0x1d0: {  	v1 =	vld [tilespmem:s0+$0xFFFFFFA0]  }
0x1d1: {  	v2 =	vld [tilespmem:s0+$0xFFFFFFB0]  }
0x1d2: {  	v3 =	vld [tilespmem:s0+$0xFFFFFFC0]  }
0x1d3: {  	v4 =	vld [tilespmem:s0+$0xFFFFFFD0]  }
0x1d4: {  	v5 =	vld [tilespmem:s0+$0xFFFFFFE0];
	v6 =	vand.u32 $0xFFFF, v0  }
0x1d5: {  	v8 =	vld [tilespmem:s0+$0xFFFFFFF0];
	v7 =	vand.u32 $0xFFFF, v1  }
0x1d6: {  	v10 =	vld [tilespmem:s0+$0xFFFFFF90];
	v9 =	vand.u32 $0xFFFF, v2  }
0x1d7: {  	v11 =	vand.u32 $0xFFFF, v3  }
0x1d8: {  	v12 =	vand.u32 $0xFFFF, v4  }
0x1d9: {  	v13 =	vand.u32 $0xFFFF, v5;
	v6 =	vld.idx.msk [tilespmem:v6+s22+$0x0], $0xffff  }
0x1da: {  	v14 =	vand.u32 $0xFFFF, v8;
	v7 =	vld.idx.msk [tilespmem:v7+s22+$0x0], $0xffff  }
0x1db: {  	v15 =	vand.u32 $0xFFFF, v10;
	v9 =	vld.idx.msk [tilespmem:v9+s22+$0x0], $0xffff  }
0x1dc: {  	v0 =	vshrl.u32 v0, $0x10;
	v11 =	vld.idx.msk [tilespmem:v11+s22+$0x0], $0xffff  }
0x1dd: {  	v1 =	vshrl.u32 v1, $0x10;
	v12 =	vld.idx.msk [tilespmem:v12+s22+$0x0], $0xffff  }
0x1de: {  	s30 =	simm.s32 $0x18080;
	v16 =	vshrl.u32 v2, $0x10;
	v13 =	vld.idx.msk [tilespmem:v13+s22+$0x0], $0xffff  }
0x1df: {  	v17 =	vshrl.u32 v3, $0x10;
	v14 =	vld.idx.msk [tilespmem:v14+s22+$0x0], $0xffff;
	[tilespmem:s30+$0x60] =	vst v6  }
0x1e0: {  	v2 =	vld.idx.msk [tilespmem:v15+s22+$0x0], $0xffff;
	v6 =	vshrl.u32 v4, $0x10;
	[tilespmem:s30+$0xFFFFFFA0] =	vst v7  }
0x1e1: {  	v7 =	vshrl.u32 v5, $0x10;
	[tilespmem:s30+$0xFFFFFFC0] =	vst v9;
	v18 =	vld.idx.msk [tilespmem:v0+s22+$0x0], $0xffff  }
0x1e2: {  	[tilespmem:s30+$0xFFFFFFE0] =	vst v11;
	v3 =	vld.idx.msk [tilespmem:v1+s22+$0x0], $0xffff  }
0x1e3: {  	[tilespmem:s30+$0x0] =	vst v12;
	v4 =	vld.idx.msk [tilespmem:v16+s22+$0x0], $0xffff  }
0x1e4: {  	[tilespmem:s30+$0x20] =	vst v13;
	v5 =	vld.idx.msk [tilespmem:v17+s22+$0x0], $0xffff  }
0x1e5: {  	[tilespmem:s30+$0x40] =	vst v14;
	v6 =	vld.idx.msk [tilespmem:v6+s22+$0x0], $0xffff  }
0x1e6: {  	s31 =	simm.s32 $0x0;
	s0 =	simm.s32 $0x20F0;
	v0 =	vshrl.u32 v8, $0x10;
	v1 =	vshrl.u32 v10, $0x10;
	v7 =	vld.idx.msk [tilespmem:v7+s22+$0x0], $0xffff;
	[tilespmem:s30+$0x70] =	vst v18  }
.LBB2_16:
0x1e7: {  	v8 =	vld [tilespmem:s0+$0x0];
	s31 =	sadd.s32 $0x8, s31;
	[tilespmem:s30+$0xFFFFFF80] =	vst v2  }
0x1e8: {  	v2 =	vld [tilespmem:s0+$0xFFFFFFA0];
	p0 =	slt.u32 s31, $0x1F8;
	[tilespmem:s30+$0xFFFFFFB0] =	vst v3  }
0x1e9: {  	v3 =	vld [tilespmem:s0+$0xFFFFFFB0];
	[tilespmem:s30+$0xFFFFFFD0] =	vst v4  }
0x1ea: {  	v4 =	vld [tilespmem:s0+$0xFFFFFFC0];
	[tilespmem:s30+$0xFFFFFFF0] =	vst v5  }
0x1eb: {  	v5 =	vld [tilespmem:s0+$0xFFFFFFD0];
	[tilespmem:s30+$0x10] =	vst v6  }
0x1ec: {  	v6 =	vld [tilespmem:s0+$0xFFFFFFE0];
	v9 =	vand.u32 $0xFFFF, v8;
	[tilespmem:s30+$0x30] =	vst v7  }
0x1ed: {  	v7 =	vshrl.u32 v2, $0x10;
	v2 =	vand.u32 $0xFFFF, v2;
	v10 =	vld [tilespmem:s0+$0xFFFFFFF0]  }
0x1ee: {  	v11 =	vld [tilespmem:s0+$0xFFFFFF90];
	v12 =	vshrl.u32 v3, $0x10;
	v3 =	vand.u32 $0xFFFF, v3  }
0x1ef: {  	v13 =	vshrl.u32 v4, $0x10;
	v4 =	vand.u32 $0xFFFF, v4;
	v14 =	vld.idx.msk [tilespmem:v1+s22+$0x0], $0xffff  }
0x1f0: {  	v15 =	vshrl.u32 v5, $0x10;
	v5 =	vand.u32 $0xFFFF, v5;
	v16 =	vld.idx.msk [tilespmem:v0+s22+$0x0], $0xffff  }
0x1f1: {  	v17 =	vshrl.u32 v6, $0x10;
	v6 =	vand.u32 $0xFFFF, v6;
	v9 =	vld.idx.msk [tilespmem:v9+s22+$0x0], $0xffff  }
0x1f2: {  	v2 =	vld.idx.msk [tilespmem:v2+s22+$0x0], $0xffff;
	v0 =	vshrl.u32 v10, $0x10;
	v10 =	vand.u32 $0xFFFF, v10  }
0x1f3: {  	v8 =	vshrl.u32 v8, $0x10;
	v1 =	vshrl.u32 v11, $0x10;
	v11 =	vand.u32 $0xFFFF, v11;
	v3 =	vld.idx.msk [tilespmem:v3+s22+$0x0], $0xffff  }
0x1f4: {  	v4 =	vld.idx.msk [tilespmem:v4+s22+$0x0], $0xffff  }
0x1f5: {  	v5 =	vld.idx.msk [tilespmem:v5+s22+$0x0], $0xffff;
	[tilespmem:s30+$0xFFFFFF90] =	vst v14  }
0x1f6: {  	v6 =	vld.idx.msk [tilespmem:v6+s22+$0x0], $0xffff;
	[tilespmem:s30+$0x50] =	vst v16;
	s30 =	sadd.s32 $0x100, s30  }
0x1f7: {  	v10 =	vld.idx.msk [tilespmem:v10+s22+$0x0], $0xffff;
	[tilespmem:s30+$0x60] =	vst v9  }
0x1f8: {  	[tilespmem:s30+$0xFFFFFFA0] =	vst v2;
	v8 =	vld.idx.msk [tilespmem:v8+s22+$0x0], $0xffff  }
0x1f9: {  	v2 =	vld.idx.msk [tilespmem:v11+s22+$0x0], $0xffff;
	[tilespmem:s30+$0xFFFFFFC0] =	vst v3  }
.Ltmp7:
0x1fa: {  	v3 =	vld.idx.msk [tilespmem:v7+s22+$0x0], $0xffff;
	[tilespmem:s30+$0xFFFFFFE0] =	vst v4;
	(pc) =	sbr.rel @p0 .LBB2_16-.Ltmp7, $4  }
0x1fb: {  	v4 =	vld.idx.msk [tilespmem:v12+s22+$0x0], $0xffff;
	[tilespmem:s30+$0x0] =	vst v5  }
0x1fc: {  	v5 =	vld.idx.msk [tilespmem:v13+s22+$0x0], $0xffff;
	[tilespmem:s30+$0x20] =	vst v6  }
0x1fd: {  	v6 =	vld.idx.msk [tilespmem:v15+s22+$0x0], $0xffff;
	[tilespmem:s30+$0x40] =	vst v10  }
0x1fe: {  	s0 =	sadd.s32 $0x80, s0;
	v7 =	vld.idx.msk [tilespmem:v17+s22+$0x0], $0xffff;
	[tilespmem:s30+$0x70] =	vst v8  }
0x1ff: {  	_ =	sdelay $0x2  }
0x200: {  	[tilespmem:s30+$0xFFFFFF80] =	vst v2  }
0x201: {  	[tilespmem:s30+$0xFFFFFFB0] =	vst v3;
	v0 =	vld.idx.msk [tilespmem:v0+s22+$0x0], $0xffff  }
0x202: {  	v1 =	vld.idx.msk [tilespmem:v1+s22+$0x0], $0xffff;
	[tilespmem:s30+$0xFFFFFFD0] =	vst v4  }
0x203: {  	[tilespmem:s30+$0xFFFFFFF0] =	vst v5  }
0x204: {  	[tilespmem:s30+$0x10] =	vst v6  }
0x205: {  	[tilespmem:s30+$0x30] =	vst v7  }
0x206: {  	[tilespmem:s30+$0x50] =	vst v0  }
0x207: {  	s29 =	sadd.s32 $0x1, s29;
	[tilespmem:s30+$0xFFFFFF90] =	vst v1  }
0x208: {  	[hbm4b:s15+s17] =	stream.strided.scatter [tilespmem:s24], [sflag:$0x4], $0x4000, s18, s17, $0x38;
	[tilespmem:$0x1C000] =	vst v63  }
0x209: {  	p0 =	sne.s32 s29, s16;
	_ =	swait.ge [sflag:s26], $0x4000  }
.Ltmp8:
0x20a: {  	[sflag:s26] =	ssyncset.done $0x0;
	(pc) =	sbr.rel @p0 .LBB2_1-.Ltmp8, $4  }
0x20b: {  	[sflag:s26] =	ssyncadd.s32 $0xFFFFC000  }
0x20c: {  	_ =	swait.ge [sflag:s28], $0x4000  }
0x20d: {  	[sflag:s28] =	ssyncset.done $0x0  }
0x20e: {  	[sflag:s28] =	ssyncadd.s32 $0xFFFFC000  }
0x20f: {  	_ =	sfence.sel $0x180000  }
0x210: {  	[bflag:$0x0] =	sbarrier.arrive $0xFFFF  }
0x211: {  	_ =	strace $0x90000047  }
0x212: {  	[bflag:$0x2] =	sbarrier.arrive $0xFFFF  }
0x213: {  	p0 =	sne.s32 s1, $0x0;
	s0 =	rddreg [dreg:$0x3]  }
0x214: {  	s0 =	sadd.s32 @!p0 $0x100000, s0  }
0x215: {  	[sflag:s0] =	ssyncadd.tile.s32 @!p0 $0x1;
	_ =	shalt  }
.Lfunc_end2:
_tile_overlayer_lowered:
.L_overlay_start_2:
0x216: {  	(tag) =	ssettag $0x2  }
0x217: {  	s0 =	rddreg [dreg:$0x0];
	s2 =	stileid.u32  }
0x218: {  	s1 =	rddreg [dreg:$0x1];
	p0 =	sne.s32 s2, $0x0  }
0x219: {  	s3 =	rddreg [dreg:$0x2];
	[bflag:$0x3] =	sbarrier.arrive $0xFFFF;
	s2 =	simm.s32 @!p0 $0x1C05  }
0x21a: {  	[timem:s3], [sflag:s2] =	dma.local @!p0 [hbm:s0], s1  }
0x21b: {  	s0 =	simm.s32 @!p0 $0x5  }
0x21c: {  	_ =	swait.ge @!p0 [sflag:s0], s1  }
0x21d: {  	s1 =	ssub.s32 @!p0 $0x0, s1;
	[sflag:s0] =	ssyncset.done @!p0 $0x0  }
0x21e: {  	[sflag:s0] =	ssyncadd.s32 @!p0 s1  }
0x21f: {  	[bflag:$0x3] =	sbarrier.arrive $0xFFFF  }
0x220: {  	_ =	shalt  }

</sc_bundles>
